<compile_context>
chip_gen: v7x
topology: tpu7x:2x2x1
jax: 0.10.2.dev20260603
libtpu: 0.0.44.dev20260713+nightly
codegen_flags: <defaults>
</compile_context>

<pallas_src>
import functools

import jax
import jax.numpy as jnp
from jax import lax
from jax.experimental import pallas as pl
from jax.experimental.pallas import tpu as pltpu
from jax.experimental.pallas import tpu_sc as plsc

N = 100000
E = 1600000
FX = 32
FE = 16
H = 64
OUT = 64

_BE = 16000
_BN = 2000

_NC = 2
_NS = 16
_NW = _NC * _NS

_GC = 200
_PER_W = E // _NW
_GITER = _PER_W // _GC
_CW = 16


def _gather_counts_body(row_hbm, col_hbm, x_hbm, out_hbm, cnt_hbm,
                        idxb0, idxb1, colb0, colb1, rows0, rows1, stag8, acc,
                        semi0, semi1, semc0, semc1, semg, semo0, semo1):
    idxb = (idxb0, idxb1)
    colb = (colb0, colb1)
    rows = (rows0, rows1)
    semi = (semi0, semi1)
    semc = (semc0, semc1)
    semo = (semo0, semo1)
    cid = lax.axis_index("c")
    sid = lax.axis_index("s")
    wid = sid * _NC + cid
    wbase = wid * _PER_W

    zero16 = jnp.zeros((16,), jnp.float32)

    def zb(i, carry):
        stag8[i, pl.ds(0, 16)] = zero16
        return carry

    lax.fori_loop(0, _GC, zb, 0)
    tbase = sid * (N // _NS)

    def zc(k, carry):
        pltpu.sync_copy(stag8, acc.at[pl.ds(tbase + k * _GC, _GC)])
        return carry

    lax.fori_loop(0, N // _NS // _GC, zc, 0)
    _ztail = N // _NS - (N // _NS // _GC) * _GC
    pltpu.sync_copy(stag8.at[pl.ds(0, _ztail)],
                    acc.at[pl.ds(tbase + N // _NS - _ztail, _ztail)])

    onerow = jnp.where(lax.iota(jnp.int32, 16) == 0, 1.0, 0.0).astype(jnp.float32)

    def ob(i, carry):
        stag8[i, pl.ds(0, 16)] = onerow
        return carry

    lax.fori_loop(0, _GC, ob, 0)
    plsc.subcore_barrier()

    def _issue(i, b):
        pltpu.async_copy(row_hbm.at[pl.ds(wbase + i * _GC, _GC)], idxb[b], semi[b])
        pltpu.async_copy(col_hbm.at[pl.ds(wbase + i * _GC, _GC)], colb[b], semc[b])

    _issue(0, 0)

    def pair(g, carry):
        for b in (0, 1):
            i = g * 2 + b

            @pl.when(i + 1 < _GITER)
            def _():
                _issue(i + 1, 1 - b)

            pltpu.make_async_copy(row_hbm.at[pl.ds(wbase + i * _GC, _GC)],
                                  idxb[b], semi[b]).wait()

            @pl.when(i >= 2)
            def _():
                pltpu.make_async_copy(
                    rows[b], out_hbm.at[pl.ds(wbase + (i - 2) * _GC, _GC)],
                    semo[b]).wait()

            pltpu.async_copy(x_hbm.at[idxb[b]], rows[b], semg).wait()
            pltpu.async_copy(rows[b], out_hbm.at[pl.ds(wbase + i * _GC, _GC)], semo[b])
            pltpu.make_async_copy(col_hbm.at[pl.ds(wbase + i * _GC, _GC)],
                                  colb[b], semc[b]).wait()
            pltpu.sync_copy(stag8, acc.at[colb[b]], add=True)
        return carry

    lax.fori_loop(0, _GITER // 2, pair, 0)
    for b in (0, 1):
        i = _GITER - 2 + b
        pltpu.make_async_copy(rows[b], out_hbm.at[pl.ds(wbase + i * _GC, _GC)],
                              semo[b]).wait()

    plsc.subcore_barrier()
    cbase = cid * N + tbase

    def wc(k, carry):
        pltpu.sync_copy(acc.at[pl.ds(tbase + k * _GC, _GC)], stag8)
        pltpu.sync_copy(stag8, cnt_hbm.at[pl.ds(cbase + k * _GC, _GC)])
        return carry

    lax.fori_loop(0, N // _NS // _GC, wc, 0)
    _wtail = N // _NS - (N // _NS // _GC) * _GC
    _wtb = N // _NS - _wtail
    pltpu.sync_copy(acc.at[pl.ds(tbase + _wtb, _wtail)], stag8.at[pl.ds(0, _wtail)])
    pltpu.sync_copy(stag8.at[pl.ds(0, _wtail)], cnt_hbm.at[pl.ds(cbase + _wtb, _wtail)])


def _sc_gather_counts(row, col, x):
    mesh = plsc.VectorSubcoreMesh(core_axis_name="c", subcore_axis_name="s")
    k = functools.partial(
        pl.kernel,
        mesh=mesh,
        out_type=(
            jax.ShapeDtypeStruct((E, FX), jnp.float32),
            jax.ShapeDtypeStruct((_NC * N, _CW), jnp.float32),
        ),
        scratch_types=[
            pltpu.VMEM((_GC,), jnp.int32),
            pltpu.VMEM((_GC,), jnp.int32),
            pltpu.VMEM((_GC,), jnp.int32),
            pltpu.VMEM((_GC,), jnp.int32),
            pltpu.VMEM((_GC, FX), jnp.float32),
            pltpu.VMEM((_GC, FX), jnp.float32),
            pltpu.VMEM((_GC, _CW), jnp.float32),
            pltpu.VMEM_SHARED((N, _CW), jnp.float32),
            pltpu.SemaphoreType.DMA,
            pltpu.SemaphoreType.DMA,
            pltpu.SemaphoreType.DMA,
            pltpu.SemaphoreType.DMA,
            pltpu.SemaphoreType.DMA,
            pltpu.SemaphoreType.DMA,
            pltpu.SemaphoreType.DMA,
        ],
        compiler_params=pltpu.CompilerParams(use_tc_tiling_on_sc=False),
    )(_gather_counts_body)
    return k(row, col, x)


_SC_NODES = N // _NC
_ACC_R = 51200
_DUMP_BASE = _SC_NODES
_SCC = 400
_PER_T = E // _NS
_SCITER = _PER_T // _SCC


def _transform_idx(raw_v, idxl_v, lo):
    def tbody(j, carry):
        v = raw_v[pl.ds(j * 16, 16)]
        inr = (v >= lo) & (v < lo + _SC_NODES)
        dump = _DUMP_BASE + jnp.bitwise_and(v, 1023)
        idxl_v[pl.ds(j * 16, 16)] = jnp.where(inr, v - lo, dump)
        return carry

    lax.fori_loop(0, _SCC // 16, tbody, 0)


def _sum_body(cols_hbm, vals_hbm, out_hbm, colb0, colb1, stag0, stag1, idxl_v,
              acc, semc0, semc1, sems0, sems1):
    if True:
        colb = (colb0, colb1)
        stag = (stag0, stag1)
        semc = (semc0, semc1)
        sems = (sems0, sems1)
        cid = lax.axis_index("c")
        sid = lax.axis_index("s")
        lo = cid * _SC_NODES

        zero16 = jnp.zeros((16,), jnp.float32)

        def zb(i, carry):
            stag0[i, pl.ds(0, 16)] = zero16
            stag0[i, pl.ds(16, 16)] = zero16
            return carry

        lax.fori_loop(0, _SCC, zb, 0)
        tbase = sid * (_ACC_R // _NS)

        def zc(k, carry):
            pltpu.sync_copy(stag0, acc.at[pl.ds(tbase + k * _SCC, _SCC)])
            return carry

        lax.fori_loop(0, _ACC_R // _NS // _SCC, zc, 0)
        plsc.subcore_barrier()

        ebase = sid * _PER_T

        def _issue(i, b):
            base = ebase + i * _SCC
            pltpu.async_copy(cols_hbm.at[pl.ds(base, _SCC)], colb[b], semc[b])
            pltpu.async_copy(vals_hbm.at[pl.ds(base, _SCC)], stag[b], sems[b])

        _issue(0, 0)

        def pair(g, carry):
            for b in (0, 1):
                i = g * 2 + b
                base = ebase + i * _SCC

                @pl.when(i + 1 < _SCITER)
                def _():
                    _issue(i + 1, 1 - b)

                pltpu.make_async_copy(cols_hbm.at[pl.ds(base, _SCC)],
                                      colb[b], semc[b]).wait()
                _transform_idx(colb[b], idxl_v, lo)
                pltpu.make_async_copy(vals_hbm.at[pl.ds(base, _SCC)],
                                      stag[b], sems[b]).wait()
                pltpu.sync_copy(stag[b], acc.at[idxl_v], add=True)
            return carry

        lax.fori_loop(0, _SCITER // 2, pair, 0)
        plsc.subcore_barrier()

        nbase = sid * (_SC_NODES // _NS)
        obase = cid * _SC_NODES + nbase

        def wc(k, carry):
            pltpu.sync_copy(acc.at[pl.ds(nbase + k * 125, 125)],
                            stag0.at[pl.ds(0, 125)])
            pltpu.sync_copy(stag0.at[pl.ds(0, 125)],
                            out_hbm.at[pl.ds(obase + k * 125, 125)])
            return carry

        lax.fori_loop(0, _SC_NODES // _NS // 125, wc, 0)


def _sc_segment_sums(col, relu_lo, relu_hi):
    mesh = plsc.VectorSubcoreMesh(core_axis_name="c", subcore_axis_name="s")
    parts = []
    for vals in (relu_lo, relu_hi):
        k = functools.partial(
            pl.kernel,
            mesh=mesh,
            out_type=jax.ShapeDtypeStruct((N, 32), jnp.float32),
            scratch_types=[
                pltpu.VMEM((_SCC,), jnp.int32),
                pltpu.VMEM((_SCC,), jnp.int32),
                pltpu.VMEM((_SCC, 32), jnp.float32),
                pltpu.VMEM((_SCC, 32), jnp.float32),
                pltpu.VMEM((_SCC,), jnp.int32),
                pltpu.VMEM_SHARED((_ACC_R, 32), jnp.float32),
                pltpu.SemaphoreType.DMA,
                pltpu.SemaphoreType.DMA,
                pltpu.SemaphoreType.DMA,
                pltpu.SemaphoreType.DMA,
            ],
            compiler_params=pltpu.CompilerParams(use_tc_tiling_on_sc=False),
        )(_sum_body)
        parts.append(k(col, vals))
    return parts[0], parts[1]


def _edge_kernel(xg4_ref, ea4_ref, wxl_ref, wxh_ref, wel_ref, weh_ref,
                 bl_ref, bh_ref, lo_ref, hi_ref):
    xg4 = xg4_ref[...]
    ea4 = ea4_ref[...]
    lo = (jnp.dot(xg4, wxl_ref[...], preferred_element_type=jnp.float32)
          + jnp.dot(ea4, wel_ref[...], preferred_element_type=jnp.float32)
          + bl_ref[...])
    lo_ref[...] = jnp.maximum(lo, 0.0)
    hi = (jnp.dot(xg4, wxh_ref[...], preferred_element_type=jnp.float32)
          + jnp.dot(ea4, weh_ref[...], preferred_element_type=jnp.float32)
          + bh_ref[...])
    hi_ref[...] = jnp.maximum(hi, 0.0)


def _edge_mlp(xg4, ea4, Wxl, Wxh, Wel, Weh, bl, bh):
    grid = (E // _BE,)
    wspec = [
        pl.BlockSpec((128, 128), lambda i: (0, 0)),
        pl.BlockSpec((128, 128), lambda i: (0, 0)),
        pl.BlockSpec((64, 128), lambda i: (0, 0)),
        pl.BlockSpec((64, 128), lambda i: (0, 0)),
        pl.BlockSpec((1, 128), lambda i: (0, 0)),
        pl.BlockSpec((1, 128), lambda i: (0, 0)),
    ]
    return pl.pallas_call(
        _edge_kernel,
        grid=grid,
        in_specs=[
            pl.BlockSpec((_BE // 4, 128), lambda i: (i, 0)),
            pl.BlockSpec((_BE // 4, 64), lambda i: (i, 0)),
        ] + wspec,
        out_specs=[
            pl.BlockSpec((_BE // 4, 128), lambda i: (i, 0)),
            pl.BlockSpec((_BE // 4, 128), lambda i: (i, 0)),
        ],
        out_shape=[
            jax.ShapeDtypeStruct((E // 4, 128), jnp.float32),
            jax.ShapeDtypeStruct((E // 4, 128), jnp.float32),
        ],
    )(xg4, ea4, Wxl, Wxh, Wel, Weh, bl, bh)


def _node_kernel(x_ref, s0_ref, s1_ref, c0_ref, c1_ref, w2_ref, b2_ref,
                 w3x_ref, w3m_ref, b3_ref, w4_ref, b4_ref, o_ref):
    cnt = c0_ref[:, 0:1] + c1_ref[:, 0:1]
    sums = jnp.concatenate([s0_ref[...], s1_ref[...]], axis=1)
    mean_relu = sums / jnp.maximum(cnt, 1.0)
    m2 = jnp.dot(mean_relu, w2_ref[...], preferred_element_type=jnp.float32) + b2_ref[...]
    m2 = jnp.where(cnt > 0.0, m2, 0.0)
    h = (jnp.dot(x_ref[...], w3x_ref[...], preferred_element_type=jnp.float32)
         + jnp.dot(m2, w3m_ref[...], preferred_element_type=jnp.float32)
         + b3_ref[...])
    h = jnp.maximum(h, 0.0)
    o_ref[...] = jnp.dot(h, w4_ref[...], preferred_element_type=jnp.float32) + b4_ref[...]


def _node_mlp(x, sums0, sums1, pcnt, W2, b2, W3x, W3m, b3, W4, b4):
    grid = (N // _BN,)
    return pl.pallas_call(
        _node_kernel,
        grid=grid,
        in_specs=[
            pl.BlockSpec((_BN, FX), lambda i: (i, 0)),
            pl.BlockSpec((_BN, 32), lambda i: (i, 0)),
            pl.BlockSpec((_BN, 32), lambda i: (i, 0)),
            pl.BlockSpec((_BN, _CW), lambda i: (i, 0)),
            pl.BlockSpec((_BN, _CW), lambda i: (N // _BN + i, 0)),
            pl.BlockSpec((H, H), lambda i: (0, 0)),
            pl.BlockSpec((1, H), lambda i: (0, 0)),
            pl.BlockSpec((FX, H), lambda i: (0, 0)),
            pl.BlockSpec((H, H), lambda i: (0, 0)),
            pl.BlockSpec((1, H), lambda i: (0, 0)),
            pl.BlockSpec((H, OUT), lambda i: (0, 0)),
            pl.BlockSpec((1, OUT), lambda i: (0, 0)),
        ],
        out_specs=pl.BlockSpec((_BN, OUT), lambda i: (i, 0)),
        out_shape=jax.ShapeDtypeStruct((N, OUT), jnp.float32),
    )(x, sums0, sums1, pcnt, pcnt, W2, b2, W3x, W3m, b3, W4, b4)


def kernel(x, edge_index, edge_attr, u, batch, W1, b1, W2, b2, W3, b3, W4, b4):
    row = edge_index[0]
    col = edge_index[1]
    xg, pcnt = _sc_gather_counts(row, col, x)
    eye4 = jnp.eye(4, dtype=jnp.float32)
    Wxl = jnp.kron(eye4, W1[:FX, :32])
    Wxh = jnp.kron(eye4, W1[:FX, 32:])
    Wel = jnp.kron(eye4, W1[FX:, :32])
    Weh = jnp.kron(eye4, W1[FX:, 32:])
    bl = jnp.tile(b1[:32], 4).reshape(1, 128)
    bh = jnp.tile(b1[32:], 4).reshape(1, 128)
    relu_lo, relu_hi = _edge_mlp(xg.reshape(E // 4, 128),
                                 edge_attr.reshape(E // 4, 64),
                                 Wxl, Wxh, Wel, Weh, bl, bh)
    sums0, sums1 = _sc_segment_sums(col, relu_lo.reshape(E, 32),
                                    relu_hi.reshape(E, 32))
    return _node_mlp(x, sums0, sums1, pcnt, W2, b2.reshape(1, H), W3[:FX],
                     W3[FX:], b3.reshape(1, H), W4, b4.reshape(1, OUT))

# --- scband reference (transcript-rebuilt; emitter-appended) ---
"""Pipeline reference for scband-node-model-7060926234899 (READ-ONLY COPY).

The authoritative reference and input builder live on the scoring server;
editing this copy changes nothing except your own understanding.
"""

import jax, jax.numpy as jnp
import numpy as np

N = 100000
E = 1600000
F_X = 32
F_E = 16
H = 64
OUT = 64


def setup_inputs(seed: int = 0) -> dict:
    key = jax.random.key(seed)
    ks = jax.random.split(key, 13)
    x = jax.random.normal(ks[0], (N, F_X), dtype=jnp.float32)
    edge_index = jax.random.randint(ks[1], (2, E), 0, N, dtype=jnp.int32)
    edge_attr = jax.random.normal(ks[2], (E, F_E), dtype=jnp.float32)
    u = jax.random.normal(ks[3], (1, F_X), dtype=jnp.float32)
    batch = jnp.zeros((N,), dtype=jnp.int32)
    # node_mlp_1: Lin(F_x+F_e, 64) -> ReLU -> Lin(64, 64)
    W1 = jax.random.normal(ks[4], (F_X + F_E, H), dtype=jnp.float32) / np.sqrt(F_X + F_E)
    b1 = jnp.zeros((H,), dtype=jnp.float32)
    W2 = jax.random.normal(ks[5], (H, H), dtype=jnp.float32) / np.sqrt(H)
    b2 = jnp.zeros((H,), dtype=jnp.float32)
    # node_mlp_2: Lin(F_x+64, 64) -> ReLU -> Lin(64, out_dim)
    W3 = jax.random.normal(ks[6], (F_X + H, H), dtype=jnp.float32) / np.sqrt(F_X + H)
    b3 = jnp.zeros((H,), dtype=jnp.float32)
    W4 = jax.random.normal(ks[7], (H, OUT), dtype=jnp.float32) / np.sqrt(H)
    b4 = jnp.zeros((OUT,), dtype=jnp.float32)
    return {"x": x, "edge_index": edge_index, "edge_attr": edge_attr, "u": u,
            "batch": batch, "W1": W1, "b1": b1, "W2": W2, "b2": b2,
            "W3": W3, "b3": b3, "W4": W4, "b4": b4}


def reference(x, edge_index, edge_attr, u, batch, W1, b1, W2, b2, W3, b3, W4, b4):
    row = edge_index[0]
    col = edge_index[1]
    # out = cat([x[row], edge_attr], dim=1)
    out = jnp.concatenate([jnp.take(x, row, axis=0), edge_attr], axis=1)
    # node_mlp_1
    out = jax.nn.relu(out @ W1 + b1) @ W2 + b2
    # scatter_mean over destination nodes (col), dim_size = N
    sums = jax.ops.segment_sum(out, col, num_segments=x.shape[0])
    counts = jax.ops.segment_sum(jnp.ones((col.shape[0], 1), dtype=x.dtype), col,
                                 num_segments=x.shape[0])
    mean = sums / jnp.clip(counts, 1.0)
    # out = cat([x, out], dim=1); node_mlp_2
    h = jnp.concatenate([x, mean], axis=1)
    return jax.nn.relu(h @ W3 + b3) @ W4 + b4

if __name__ == "__main__":
    import jax
    _d = setup_inputs()
    print(jax.jit(kernel)(*tuple(_d.values())))

</pallas_src>

<mosaic_0001>
#map = affine_map<(d0, d1) -> (0)>
#map1 = affine_map<(d0, d1) -> (0, 0)>
module attributes {stable_mosaic.version = 14 : i64} {
  func.func @_sum_body(%arg0: i32, %arg1: i32, %arg2: memref<1600000xi32, #tpu.memory_space<hbm>>, %arg3: memref<1600000x32xf32, #tpu.memory_space<hbm>>, %arg4: memref<100000x32xf32, #tpu.memory_space<hbm>>, %arg5: memref<400xi32, #tpu.memory_space<vmem>>, %arg6: memref<400xi32, #tpu.memory_space<vmem>>, %arg7: memref<400x32xf32, #tpu.memory_space<vmem>>, %arg8: memref<400x32xf32, #tpu.memory_space<vmem>>, %arg9: memref<400xi32, #tpu.memory_space<vmem>>, %arg10: memref<51200x32xf32, #tpu.memory_space<vmem_shared>>, %arg11: memref<!tpu.dma_semaphore, #tpu.memory_space<semaphore_mem>>, %arg12: memref<!tpu.dma_semaphore, #tpu.memory_space<semaphore_mem>>, %arg13: memref<!tpu.dma_semaphore, #tpu.memory_space<semaphore_mem>>, %arg14: memref<!tpu.dma_semaphore, #tpu.memory_space<semaphore_mem>>) attributes {dimension_semantics = [#tpu.dimension_semantics<core_parallel>, #tpu.dimension_semantics<subcore_parallel>], iteration_bounds = array<i64: 2, 16>, scalar_prefetch = 0 : i64, scratch_operands = 10 : i64, tpu.core_type = #tpu.core_type<sc_vector_subcore>, window_params = [{transform_indices = #map}, {transform_indices = #map1}, {transform_indices = #map1}]} {
    %mul3A = arith.constant 50000 : i32
    %mul3A_0 = arith.muli %arg0, %mul3A : i32
    %broadcast_in_dim3A = arith.constant 0.000000e+00 : f32
    %broadcast_in_dim3A_1 = vector.broadcast %broadcast_in_dim3A : f32 to vector<16xf32>
    %scan3A = arith.constant 0 : i32
    %scan3A_2 = arith.constant 0 : i32
    %scan3A_3 = arith.constant 400 : i32
    %scan3A_4 = arith.addi %scan3A_2, %scan3A_3 : i32
    %scan3A_5 = arith.constant 1 : i32
    scf.for %scan3A_41 = %scan3A_2 to %scan3A_4 step %scan3A_5  : i32 {
      %swap3A = arith.index_cast %scan3A_41 : i32 to index
      %swap3A_42 = arith.constant 0 : index
      %swap3A_43 = tpu.vector_load %arg7[%swap3A, %swap3A_42] {strides = array<i32>} : memref<400x32xf32, #tpu.memory_space<vmem>>, vector<1x16xf32>,
      %swap3A_44 = vector.shape_cast %swap3A_43 : vector<1x16xf32> to vector<16xf32>
      %swap3A_45 = vector.shape_cast %broadcast_in_dim3A_1 : vector<16xf32> to vector<1x16xf32>
      tpu.vector_store %arg7[%swap3A, %swap3A_42], %swap3A_45 {strides = array<i32>} : memref<400x32xf32, #tpu.memory_space<vmem>>, vector<1x16xf32>,
      %swap3A_46 = arith.index_cast %scan3A_41 : i32 to index
      %swap3A_47 = arith.constant 16 : index
      %swap3A_48 = tpu.vector_load %arg7[%swap3A_46, %swap3A_47] {strides = array<i32>} : memref<400x32xf32, #tpu.memory_space<vmem>>, vector<1x16xf32>,
      %swap3A_49 = vector.shape_cast %swap3A_48 : vector<1x16xf32> to vector<16xf32>
      %swap3A_50 = vector.shape_cast %broadcast_in_dim3A_1 : vector<16xf32> to vector<1x16xf32>
      tpu.vector_store %arg7[%swap3A_46, %swap3A_47], %swap3A_50 {strides = array<i32>} : memref<400x32xf32, #tpu.memory_space<vmem>>, vector<1x16xf32>,
    }
    %scan3A_6 = arith.constant 400 : i32
    %mul3A_7 = arith.constant 3200 : i32
    %mul3A_8 = arith.muli %arg1, %mul3A_7 : i32
    %scan3A_9 = arith.constant 0 : i32
    %scan3A_10 = arith.constant 0 : i32
    %scan3A_11 = arith.constant 8 : i32
    %scan3A_12 = arith.addi %scan3A_10, %scan3A_11 : i32
    %scan3A_13 = arith.constant 1 : i32
    scf.for %scan3A_41 = %scan3A_10 to %scan3A_12 step %scan3A_13  : i32 {
      %mul3A_42 = arith.constant 400 : i32
      %mul3A_43 = arith.muli %scan3A_41, %mul3A_42 : i32
      %add3A_44 = arith.addi %mul3A_8, %mul3A_43 : i32
      "tpu.region"() ({
        %run_scoped3A = tpu.sem_alloc : memref<!tpu.dma_semaphore, #tpu.memory_space<semaphore_mem>>
        %dma_start3A_45 = arith.constant 0 : i32
        %dma_start3A_46 = tpu.memref_slice %arg10[%add3A_44, %dma_start3A_45] : memref<51200x32xf32, #tpu.memory_space<vmem_shared>> -> memref<400x32xf32, #tpu.memory_space<vmem_shared>>
        %dma_start3A_47 = arith.constant 0 : i32
        %dma_start3A_48 = tpu.memref_slice %arg10[%add3A_44, %dma_start3A_47] : memref<51200x32xf32, #tpu.memory_space<vmem_shared>> -> memref<400x32xf32, #tpu.memory_space<vmem_shared>>
        tpu.enqueue_dma source(%arg7 : memref<400x32xf32, #tpu.memory_space<vmem>>) target(%dma_start3A_48 : memref<400x32xf32, #tpu.memory_space<vmem_shared>>) target_semaphore(%run_scoped3A : memref<!tpu.dma_semaphore, #tpu.memory_space<semaphore_mem>>)
        %dma_wait3A = arith.constant 0 : i32
        %dma_wait3A_49 = tpu.memref_slice %arg10[%add3A_44, %dma_wait3A] : memref<51200x32xf32, #tpu.memory_space<vmem_shared>> -> memref<400x32xf32, #tpu.memory_space<vmem_shared>>
        %dma_wait3A_50 = arith.constant 0 : i32
        %dma_wait3A_51 = tpu.memref_slice %arg10[%add3A_44, %dma_wait3A_50] : memref<51200x32xf32, #tpu.memory_space<vmem_shared>> -> memref<400x32xf32, #tpu.memory_space<vmem_shared>>
        tpu.wait_dma2 semaphore(%run_scoped3A : memref<!tpu.dma_semaphore, #tpu.memory_space<semaphore_mem>>) src(%arg7 : memref<400x32xf32, #tpu.memory_space<vmem>>) dst(%dma_wait3A_51 : memref<400x32xf32, #tpu.memory_space<vmem_shared>>)
        tpu.yield
      }) : () -> ()
    }
    %scan3A_14 = arith.constant 8 : i32
    %barrier3A = arith.constant 0 : index
    tpu.barrier barrier_id(%barrier3A)
    %mul3A_15 = arith.constant 100000 : i32
    %mul3A_16 = arith.muli %arg1, %mul3A_15 : i32
    %add3A = arith.constant 0 : i32
    %add3A_17 = arith.addi %mul3A_16, %add3A : i32
    %dma_start3A = tpu.memref_slice %arg2[%add3A_17] : memref<1600000xi32, #tpu.memory_space<hbm>> -> memref<400xi32, #tpu.memory_space<hbm>>
    %dma_start3A_18 = tpu.memref_slice %arg2[%add3A_17] : memref<1600000xi32, #tpu.memory_space<hbm>> -> memref<400xi32, #tpu.memory_space<hbm>>
    tpu.enqueue_dma source(%dma_start3A_18 : memref<400xi32, #tpu.memory_space<hbm>>) target(%arg5 : memref<400xi32, #tpu.memory_space<vmem>>) target_semaphore(%arg11 : memref<!tpu.dma_semaphore, #tpu.memory_space<semaphore_mem>>)
    %dma_start3A_19 = arith.constant 0 : i32
    %dma_start3A_20 = tpu.memref_slice %arg3[%add3A_17, %dma_start3A_19] : memref<1600000x32xf32, #tpu.memory_space<hbm>> -> memref<400x32xf32, #tpu.memory_space<hbm>>
    %dma_start3A_21 = arith.constant 0 : i32
    %dma_start3A_22 = tpu.memref_slice %arg3[%add3A_17, %dma_start3A_21] : memref<1600000x32xf32, #tpu.memory_space<hbm>> -> memref<400x32xf32, #tpu.memory_space<hbm>>
    tpu.enqueue_dma source(%dma_start3A_22 : memref<400x32xf32, #tpu.memory_space<hbm>>) target(%arg7 : memref<400x32xf32, #tpu.memory_space<vmem>>) target_semaphore(%arg13 : memref<!tpu.dma_semaphore, #tpu.memory_space<semaphore_mem>>)
    %scan3A_23 = arith.constant 0 : i32
    %scan3A_24 = arith.constant 0 : i32
    %scan3A_25 = arith.constant 125 : i32
    %scan3A_26 = arith.addi %scan3A_24, %scan3A_25 : i32
    %scan3A_27 = arith.constant 1 : i32
    scf.for %scan3A_41 = %scan3A_24 to %scan3A_26 step %scan3A_27  : i32 {
      %mul3A_42 = arith.constant 2 : i32
      %mul3A_43 = arith.muli %scan3A_41, %mul3A_42 : i32
      %add3A_44 = arith.constant 0 : i32
      %add3A_45 = arith.addi %mul3A_43, %add3A_44 : i32
      %mul3A_46 = arith.constant 400 : i32
      %mul3A_47 = arith.muli %add3A_45, %mul3A_46 : i32
      %add3A_48 = arith.addi %mul3A_16, %mul3A_47 : i32
      %add3A_49 = arith.constant 1 : i32
      %add3A_50 = arith.addi %add3A_45, %add3A_49 : i32
      %lt3A = arith.constant 250 : i32
      %lt3A_51 = arith.cmpi slt, %add3A_50, %lt3A : i32
      %convert_element_type3A = arith.extui %lt3A_51 : i1 to i32
      %cond3A = arith.constant 0 : i32
      %cond3A_52 = arith.cmpi ne, %convert_element_type3A, %cond3A : i32
      scf.if %cond3A_52 {
        %add3A_90 = arith.constant 1 : i32
        %add3A_91 = arith.addi %add3A_45, %add3A_90 : i32
        %mul3A_92 = arith.constant 400 : i32
        %mul3A_93 = arith.muli %add3A_91, %mul3A_92 : i32
        %add3A_94 = arith.addi %mul3A_16, %mul3A_93 : i32
        %dma_start3A_95 = tpu.memref_slice %arg2[%add3A_94] : memref<1600000xi32, #tpu.memory_space<hbm>> -> memref<400xi32, #tpu.memory_space<hbm>>
        %dma_start3A_96 = tpu.memref_slice %arg2[%add3A_94] : memref<1600000xi32, #tpu.memory_space<hbm>> -> memref<400xi32, #tpu.memory_space<hbm>>
        tpu.enqueue_dma source(%dma_start3A_96 : memref<400xi32, #tpu.memory_space<hbm>>) target(%arg6 : memref<400xi32, #tpu.memory_space<vmem>>) target_semaphore(%arg12 : memref<!tpu.dma_semaphore, #tpu.memory_space<semaphore_mem>>)
        %dma_start3A_97 = arith.constant 0 : i32
        %dma_start3A_98 = tpu.memref_slice %arg3[%add3A_94, %dma_start3A_97] : memref<1600000x32xf32, #tpu.memory_space<hbm>> -> memref<400x32xf32, #tpu.memory_space<hbm>>
        %dma_start3A_99 = arith.constant 0 : i32
        %dma_start3A_100 = tpu.memref_slice %arg3[%add3A_94, %dma_start3A_99] : memref<1600000x32xf32, #tpu.memory_space<hbm>> -> memref<400x32xf32, #tpu.memory_space<hbm>>
        tpu.enqueue_dma source(%dma_start3A_100 : memref<400x32xf32, #tpu.memory_space<hbm>>) target(%arg8 : memref<400x32xf32, #tpu.memory_space<vmem>>) target_semaphore(%arg14 : memref<!tpu.dma_semaphore, #tpu.memory_space<semaphore_mem>>)
      } else {
      }
      %dma_wait3A = tpu.memref_slice %arg2[%add3A_48] : memref<1600000xi32, #tpu.memory_space<hbm>> -> memref<400xi32, #tpu.memory_space<hbm>>
      %dma_wait3A_53 = tpu.memref_slice %arg2[%add3A_48] : memref<1600000xi32, #tpu.memory_space<hbm>> -> memref<400xi32, #tpu.memory_space<hbm>>
      tpu.wait_dma2 semaphore(%arg11 : memref<!tpu.dma_semaphore, #tpu.memory_space<semaphore_mem>>) src(%dma_wait3A_53 : memref<400xi32, #tpu.memory_space<hbm>>) dst(%arg5 : memref<400xi32, #tpu.memory_space<vmem>>)
      %scan3A_54 = arith.constant 0 : i32
      %scan3A_55 = arith.constant 0 : i32
      %scan3A_56 = arith.constant 25 : i32
      %scan3A_57 = arith.addi %scan3A_55, %scan3A_56 : i32
      %scan3A_58 = arith.constant 1 : i32
      scf.for %scan3A_90 = %scan3A_55 to %scan3A_57 step %scan3A_58  : i32 {
        %mul3A_91 = arith.constant 16 : i32
        %mul3A_92 = arith.muli %scan3A_90, %mul3A_91 : i32
        %get3A = arith.index_cast %mul3A_92 : i32 to index
        %get3A_93 = tpu.vector_load %arg5[%get3A] {strides = array<i32>} : memref<400xi32, #tpu.memory_space<vmem>>, vector<16xi32>,
        %get3A_94 = vector.shape_cast %get3A_93 : vector<16xi32> to vector<16xi32>
        %ge3A = vector.broadcast %mul3A_0 : i32 to vector<16xi32>
        %ge3A_95 = arith.cmpi sge, %get3A_94, %ge3A : vector<16xi32>
        %add3A_96 = arith.constant 50000 : i32
        %add3A_97 = arith.addi %mul3A_0, %add3A_96 : i32
        %lt3A_98 = vector.broadcast %add3A_97 : i32 to vector<16xi32>
        %lt3A_99 = arith.cmpi slt, %get3A_94, %lt3A_98 : vector<16xi32>
        %and3A = arith.andi %ge3A_95, %lt3A_99 : vector<16xi1>
        %and3A_100 = arith.constant 1023 : i32
        %and3A_101 = vector.broadcast %and3A_100 : i32 to vector<16xi32>
        %and3A_102 = arith.andi %get3A_94, %and3A_101 : vector<16xi32>
        %add3A_103 = arith.constant 50000 : i32
        %add3A_104 = vector.broadcast %add3A_103 : i32 to vector<16xi32>
        %add3A_105 = arith.addi %add3A_104, %and3A_102 : vector<16xi32>
        %sub3A = vector.broadcast %mul3A_0 : i32 to vector<16xi32>
        %sub3A_106 = arith.subi %get3A_94, %sub3A : vector<16xi32>
        %select_n3A = arith.select %and3A, %sub3A_106, %add3A_105 : vector<16xi1>, vector<16xi32>
        %mul3A_107 = arith.constant 16 : i32
        %mul3A_108 = arith.muli %scan3A_90, %mul3A_107 : i32
        %swap3A = arith.index_cast %mul3A_108 : i32 to index
        %swap3A_109 = tpu.vector_load %arg9[%swap3A] {strides = array<i32>} : memref<400xi32, #tpu.memory_space<vmem>>, vector<16xi32>,
        %swap3A_110 = vector.shape_cast %swap3A_109 : vector<16xi32> to vector<16xi32>
        %swap3A_111 = vector.shape_cast %select_n3A : vector<16xi32> to vector<16xi32>
        tpu.vector_store %arg9[%swap3A], %swap3A_111 {strides = array<i32>} : memref<400xi32, #tpu.memory_space<vmem>>, vector<16xi32>,
      }
      %scan3A_59 = arith.constant 25 : i32
      %dma_wait3A_60 = arith.constant 0 : i32
      %dma_wait3A_61 = tpu.memref_slice %arg3[%add3A_48, %dma_wait3A_60] : memref<1600000x32xf32, #tpu.memory_space<hbm>> -> memref<400x32xf32, #tpu.memory_space<hbm>>
      %dma_wait3A_62 = arith.constant 0 : i32
      %dma_wait3A_63 = tpu.memref_slice %arg3[%add3A_48, %dma_wait3A_62] : memref<1600000x32xf32, #tpu.memory_space<hbm>> -> memref<400x32xf32, #tpu.memory_space<hbm>>
      tpu.wait_dma2 semaphore(%arg13 : memref<!tpu.dma_semaphore, #tpu.memory_space<semaphore_mem>>) src(%dma_wait3A_63 : memref<400x32xf32, #tpu.memory_space<hbm>>) dst(%arg7 : memref<400x32xf32, #tpu.memory_space<vmem>>)
      "tpu.region"() ({
        %run_scoped3A = tpu.sem_alloc : memref<!tpu.dma_semaphore, #tpu.memory_space<semaphore_mem>>
        %dma_start3A_90 = arith.constant 0 : i32
        %dma_start3A_91 = arith.constant 0 : i32
        %dma_start3A_92 = tpu.memref_slice %arg10[%dma_start3A_90, %dma_start3A_91] : memref<51200x32xf32, #tpu.memory_space<vmem_shared>> -> memref<51200x32xf32, #tpu.memory_space<vmem_shared>>
        tpu.enqueue_indirect_dma source(%arg7 : memref<400x32xf32, #tpu.memory_space<vmem>>) target(%dma_start3A_92 : memref<51200x32xf32, #tpu.memory_space<vmem_shared>>) offsets(%arg9 : memref<400xi32, #tpu.memory_space<vmem>>) semaphore(%run_scoped3A : memref<!tpu.dma_semaphore, #tpu.memory_space<semaphore_mem>>) {add = true}
        %dma_wait3A_93 = arith.constant 0 : i32
        %dma_wait3A_94 = arith.constant 0 : i32
        %dma_wait3A_95 = tpu.memref_slice %arg10[%dma_wait3A_93, %dma_wait3A_94] : memref<51200x32xf32, #tpu.memory_space<vmem_shared>> -> memref<51200x32xf32, #tpu.memory_space<vmem_shared>>
        tpu.wait_indirect_dma semaphore(%run_scoped3A : memref<!tpu.dma_semaphore, #tpu.memory_space<semaphore_mem>>) src(%arg7 : memref<400x32xf32, #tpu.memory_space<vmem>>) dst(%dma_wait3A_95 : memref<51200x32xf32, #tpu.memory_space<vmem_shared>>)
        tpu.yield
      }) : () -> ()
      %mul3A_64 = arith.constant 2 : i32
      %mul3A_65 = arith.muli %scan3A_41, %mul3A_64 : i32
      %add3A_66 = arith.constant 1 : i32
      %add3A_67 = arith.addi %mul3A_65, %add3A_66 : i32
      %mul3A_68 = arith.constant 400 : i32
      %mul3A_69 = arith.muli %add3A_67, %mul3A_68 : i32
      %add3A_70 = arith.addi %mul3A_16, %mul3A_69 : i32
      %add3A_71 = arith.constant 1 : i32
      %add3A_72 = arith.addi %add3A_67, %add3A_71 : i32
      %lt3A_73 = arith.constant 250 : i32
      %lt3A_74 = arith.cmpi slt, %add3A_72, %lt3A_73 : i32
      %convert_element_type3A_75 = arith.extui %lt3A_74 : i1 to i32
      %cond3A_76 = arith.constant 0 : i32
      %cond3A_77 = arith.cmpi ne, %convert_element_type3A_75, %cond3A_76 : i32
      scf.if %cond3A_77 {
        %add3A_90 = arith.constant 1 : i32
        %add3A_91 = arith.addi %add3A_67, %add3A_90 : i32
        %mul3A_92 = arith.constant 400 : i32
        %mul3A_93 = arith.muli %add3A_91, %mul3A_92 : i32
        %add3A_94 = arith.addi %mul3A_16, %mul3A_93 : i32
        %dma_start3A_95 = tpu.memref_slice %arg2[%add3A_94] : memref<1600000xi32, #tpu.memory_space<hbm>> -> memref<400xi32, #tpu.memory_space<hbm>>
        %dma_start3A_96 = tpu.memref_slice %arg2[%add3A_94] : memref<1600000xi32, #tpu.memory_space<hbm>> -> memref<400xi32, #tpu.memory_space<hbm>>
        tpu.enqueue_dma source(%dma_start3A_96 : memref<400xi32, #tpu.memory_space<hbm>>) target(%arg5 : memref<400xi32, #tpu.memory_space<vmem>>) target_semaphore(%arg11 : memref<!tpu.dma_semaphore, #tpu.memory_space<semaphore_mem>>)
        %dma_start3A_97 = arith.constant 0 : i32
        %dma_start3A_98 = tpu.memref_slice %arg3[%add3A_94, %dma_start3A_97] : memref<1600000x32xf32, #tpu.memory_space<hbm>> -> memref<400x32xf32, #tpu.memory_space<hbm>>
        %dma_start3A_99 = arith.constant 0 : i32
        %dma_start3A_100 = tpu.memref_slice %arg3[%add3A_94, %dma_start3A_99] : memref<1600000x32xf32, #tpu.memory_space<hbm>> -> memref<400x32xf32, #tpu.memory_space<hbm>>
        tpu.enqueue_dma source(%dma_start3A_100 : memref<400x32xf32, #tpu.memory_space<hbm>>) target(%arg7 : memref<400x32xf32, #tpu.memory_space<vmem>>) target_semaphore(%arg13 : memref<!tpu.dma_semaphore, #tpu.memory_space<semaphore_mem>>)
      } else {
      }
      %dma_wait3A_78 = tpu.memref_slice %arg2[%add3A_70] : memref<1600000xi32, #tpu.memory_space<hbm>> -> memref<400xi32, #tpu.memory_space<hbm>>
      %dma_wait3A_79 = tpu.memref_slice %arg2[%add3A_70] : memref<1600000xi32, #tpu.memory_space<hbm>> -> memref<400xi32, #tpu.memory_space<hbm>>
      tpu.wait_dma2 semaphore(%arg12 : memref<!tpu.dma_semaphore, #tpu.memory_space<semaphore_mem>>) src(%dma_wait3A_79 : memref<400xi32, #tpu.memory_space<hbm>>) dst(%arg6 : memref<400xi32, #tpu.memory_space<vmem>>)
      %scan3A_80 = arith.constant 0 : i32
      %scan3A_81 = arith.constant 0 : i32
      %scan3A_82 = arith.constant 25 : i32
      %scan3A_83 = arith.addi %scan3A_81, %scan3A_82 : i32
      %scan3A_84 = arith.constant 1 : i32
      scf.for %scan3A_90 = %scan3A_81 to %scan3A_83 step %scan3A_84  : i32 {
        %mul3A_91 = arith.constant 16 : i32
        %mul3A_92 = arith.muli %scan3A_90, %mul3A_91 : i32
        %get3A = arith.index_cast %mul3A_92 : i32 to index
        %get3A_93 = tpu.vector_load %arg6[%get3A] {strides = array<i32>} : memref<400xi32, #tpu.memory_space<vmem>>, vector<16xi32>,
        %get3A_94 = vector.shape_cast %get3A_93 : vector<16xi32> to vector<16xi32>
        %ge3A = vector.broadcast %mul3A_0 : i32 to vector<16xi32>
        %ge3A_95 = arith.cmpi sge, %get3A_94, %ge3A : vector<16xi32>
        %add3A_96 = arith.constant 50000 : i32
        %add3A_97 = arith.addi %mul3A_0, %add3A_96 : i32
        %lt3A_98 = vector.broadcast %add3A_97 : i32 to vector<16xi32>
        %lt3A_99 = arith.cmpi slt, %get3A_94, %lt3A_98 : vector<16xi32>
        %and3A = arith.andi %ge3A_95, %lt3A_99 : vector<16xi1>
        %and3A_100 = arith.constant 1023 : i32
        %and3A_101 = vector.broadcast %and3A_100 : i32 to vector<16xi32>
        %and3A_102 = arith.andi %get3A_94, %and3A_101 : vector<16xi32>
        %add3A_103 = arith.constant 50000 : i32
        %add3A_104 = vector.broadcast %add3A_103 : i32 to vector<16xi32>
        %add3A_105 = arith.addi %add3A_104, %and3A_102 : vector<16xi32>
        %sub3A = vector.broadcast %mul3A_0 : i32 to vector<16xi32>
        %sub3A_106 = arith.subi %get3A_94, %sub3A : vector<16xi32>
        %select_n3A = arith.select %and3A, %sub3A_106, %add3A_105 : vector<16xi1>, vector<16xi32>
        %mul3A_107 = arith.constant 16 : i32
        %mul3A_108 = arith.muli %scan3A_90, %mul3A_107 : i32
        %swap3A = arith.index_cast %mul3A_108 : i32 to index
        %swap3A_109 = tpu.vector_load %arg9[%swap3A] {strides = array<i32>} : memref<400xi32, #tpu.memory_space<vmem>>, vector<16xi32>,
        %swap3A_110 = vector.shape_cast %swap3A_109 : vector<16xi32> to vector<16xi32>
        %swap3A_111 = vector.shape_cast %select_n3A : vector<16xi32> to vector<16xi32>
        tpu.vector_store %arg9[%swap3A], %swap3A_111 {strides = array<i32>} : memref<400xi32, #tpu.memory_space<vmem>>, vector<16xi32>,
      }
      %scan3A_85 = arith.constant 25 : i32
      %dma_wait3A_86 = arith.constant 0 : i32
      %dma_wait3A_87 = tpu.memref_slice %arg3[%add3A_70, %dma_wait3A_86] : memref<1600000x32xf32, #tpu.memory_space<hbm>> -> memref<400x32xf32, #tpu.memory_space<hbm>>
      %dma_wait3A_88 = arith.constant 0 : i32
      %dma_wait3A_89 = tpu.memref_slice %arg3[%add3A_70, %dma_wait3A_88] : memref<1600000x32xf32, #tpu.memory_space<hbm>> -> memref<400x32xf32, #tpu.memory_space<hbm>>
      tpu.wait_dma2 semaphore(%arg14 : memref<!tpu.dma_semaphore, #tpu.memory_space<semaphore_mem>>) src(%dma_wait3A_89 : memref<400x32xf32, #tpu.memory_space<hbm>>) dst(%arg8 : memref<400x32xf32, #tpu.memory_space<vmem>>)
      "tpu.region"() ({
        %run_scoped3A = tpu.sem_alloc : memref<!tpu.dma_semaphore, #tpu.memory_space<semaphore_mem>>
        %dma_start3A_90 = arith.constant 0 : i32
        %dma_start3A_91 = arith.constant 0 : i32
        %dma_start3A_92 = tpu.memref_slice %arg10[%dma_start3A_90, %dma_start3A_91] : memref<51200x32xf32, #tpu.memory_space<vmem_shared>> -> memref<51200x32xf32, #tpu.memory_space<vmem_shared>>
        tpu.enqueue_indirect_dma source(%arg8 : memref<400x32xf32, #tpu.memory_space<vmem>>) target(%dma_start3A_92 : memref<51200x32xf32, #tpu.memory_space<vmem_shared>>) offsets(%arg9 : memref<400xi32, #tpu.memory_space<vmem>>) semaphore(%run_scoped3A : memref<!tpu.dma_semaphore, #tpu.memory_space<semaphore_mem>>) {add = true}
        %dma_wait3A_93 = arith.constant 0 : i32
        %dma_wait3A_94 = arith.constant 0 : i32
        %dma_wait3A_95 = tpu.memref_slice %arg10[%dma_wait3A_93, %dma_wait3A_94] : memref<51200x32xf32, #tpu.memory_space<vmem_shared>> -> memref<51200x32xf32, #tpu.memory_space<vmem_shared>>
        tpu.wait_indirect_dma semaphore(%run_scoped3A : memref<!tpu.dma_semaphore, #tpu.memory_space<semaphore_mem>>) src(%arg8 : memref<400x32xf32, #tpu.memory_space<vmem>>) dst(%dma_wait3A_95 : memref<51200x32xf32, #tpu.memory_space<vmem_shared>>)
        tpu.yield
      }) : () -> ()
    }
    %scan3A_28 = arith.constant 125 : i32
    %barrier3A_29 = arith.constant 0 : index
    tpu.barrier barrier_id(%barrier3A_29)
    %mul3A_30 = arith.constant 3125 : i32
    %mul3A_31 = arith.muli %arg1, %mul3A_30 : i32
    %mul3A_32 = arith.constant 50000 : i32
    %mul3A_33 = arith.muli %arg0, %mul3A_32 : i32
    %add3A_34 = arith.addi %mul3A_33, %mul3A_31 : i32
    %scan3A_35 = arith.constant 0 : i32
    %scan3A_36 = arith.constant 0 : i32
    %scan3A_37 = arith.constant 25 : i32
    %scan3A_38 = arith.addi %scan3A_36, %scan3A_37 : i32
    %scan3A_39 = arith.constant 1 : i32
    scf.for %scan3A_41 = %scan3A_36 to %scan3A_38 step %scan3A_39  : i32 {
      %mul3A_42 = arith.constant 125 : i32
      %mul3A_43 = arith.muli %scan3A_41, %mul3A_42 : i32
      %add3A_44 = arith.addi %mul3A_31, %mul3A_43 : i32
      "tpu.region"() ({
        %run_scoped3A = tpu.sem_alloc : memref<!tpu.dma_semaphore, #tpu.memory_space<semaphore_mem>>
        %dma_start3A_48 = arith.constant 0 : i32
        %dma_start3A_49 = arith.constant 0 : i32
        %dma_start3A_50 = tpu.memref_slice %arg7[%dma_start3A_48, %dma_start3A_49] : memref<400x32xf32, #tpu.memory_space<vmem>> -> memref<125x32xf32, #tpu.memory_space<vmem>>
        %dma_start3A_51 = arith.constant 0 : i32
        %dma_start3A_52 = tpu.memref_slice %arg10[%add3A_44, %dma_start3A_51] : memref<51200x32xf32, #tpu.memory_space<vmem_shared>> -> memref<125x32xf32, #tpu.memory_space<vmem_shared>>
        %dma_start3A_53 = arith.constant 0 : i32
        %dma_start3A_54 = arith.constant 0 : i32
        %dma_start3A_55 = tpu.memref_slice %arg7[%dma_start3A_53, %dma_start3A_54] : memref<400x32xf32, #tpu.memory_space<vmem>> -> memref<125x32xf32, #tpu.memory_space<vmem>>
        %dma_start3A_56 = arith.constant 0 : i32
        %dma_start3A_57 = tpu.memref_slice %arg10[%add3A_44, %dma_start3A_56] : memref<51200x32xf32, #tpu.memory_space<vmem_shared>> -> memref<125x32xf32, #tpu.memory_space<vmem_shared>>
        tpu.enqueue_dma source(%dma_start3A_57 : memref<125x32xf32, #tpu.memory_space<vmem_shared>>) target(%dma_start3A_55 : memref<125x32xf32, #tpu.memory_space<vmem>>) target_semaphore(%run_scoped3A : memref<!tpu.dma_semaphore, #tpu.memory_space<semaphore_mem>>)
        %dma_wait3A = arith.constant 0 : i32
        %dma_wait3A_58 = arith.constant 0 : i32
        %dma_wait3A_59 = tpu.memref_slice %arg7[%dma_wait3A, %dma_wait3A_58] : memref<400x32xf32, #tpu.memory_space<vmem>> -> memref<125x32xf32, #tpu.memory_space<vmem>>
        %dma_wait3A_60 = arith.constant 0 : i32
        %dma_wait3A_61 = tpu.memref_slice %arg10[%add3A_44, %dma_wait3A_60] : memref<51200x32xf32, #tpu.memory_space<vmem_shared>> -> memref<125x32xf32, #tpu.memory_space<vmem_shared>>
        %dma_wait3A_62 = arith.constant 0 : i32
        %dma_wait3A_63 = arith.constant 0 : i32
        %dma_wait3A_64 = tpu.memref_slice %arg7[%dma_wait3A_62, %dma_wait3A_63] : memref<400x32xf32, #tpu.memory_space<vmem>> -> memref<125x32xf32, #tpu.memory_space<vmem>>
        %dma_wait3A_65 = arith.constant 0 : i32
        %dma_wait3A_66 = tpu.memref_slice %arg10[%add3A_44, %dma_wait3A_65] : memref<51200x32xf32, #tpu.memory_space<vmem_shared>> -> memref<125x32xf32, #tpu.memory_space<vmem_shared>>
        tpu.wait_dma2 semaphore(%run_scoped3A : memref<!tpu.dma_semaphore, #tpu.memory_space<semaphore_mem>>) src(%dma_wait3A_66 : memref<125x32xf32, #tpu.memory_space<vmem_shared>>) dst(%dma_wait3A_64 : memref<125x32xf32, #tpu.memory_space<vmem>>)
        tpu.yield
      }) : () -> ()
      %mul3A_45 = arith.constant 125 : i32
      %mul3A_46 = arith.muli %scan3A_41, %mul3A_45 : i32
      %add3A_47 = arith.addi %add3A_34, %mul3A_46 : i32
      "tpu.region"() ({
        %run_scoped3A = tpu.sem_alloc : memref<!tpu.dma_semaphore, #tpu.memory_space<semaphore_mem>>
        %dma_start3A_48 = arith.constant 0 : i32
        %dma_start3A_49 = arith.constant 0 : i32
        %dma_start3A_50 = tpu.memref_slice %arg7[%dma_start3A_48, %dma_start3A_49] : memref<400x32xf32, #tpu.memory_space<vmem>> -> memref<125x32xf32, #tpu.memory_space<vmem>>
        %dma_start3A_51 = arith.constant 0 : i32
        %dma_start3A_52 = tpu.memref_slice %arg4[%add3A_47, %dma_start3A_51] : memref<100000x32xf32, #tpu.memory_space<hbm>> -> memref<125x32xf32, #tpu.memory_space<hbm>>
        %dma_start3A_53 = arith.constant 0 : i32
        %dma_start3A_54 = tpu.memref_slice %arg4[%add3A_47, %dma_start3A_53] : memref<100000x32xf32, #tpu.memory_space<hbm>> -> memref<125x32xf32, #tpu.memory_space<hbm>>
        %dma_start3A_55 = arith.constant 0 : i32
        %dma_start3A_56 = arith.constant 0 : i32
        %dma_start3A_57 = tpu.memref_slice %arg7[%dma_start3A_55, %dma_start3A_56] : memref<400x32xf32, #tpu.memory_space<vmem>> -> memref<125x32xf32, #tpu.memory_space<vmem>>
        tpu.enqueue_dma source(%dma_start3A_57 : memref<125x32xf32, #tpu.memory_space<vmem>>) target(%dma_start3A_54 : memref<125x32xf32, #tpu.memory_space<hbm>>) target_semaphore(%run_scoped3A : memref<!tpu.dma_semaphore, #tpu.memory_space<semaphore_mem>>)
        %dma_wait3A = arith.constant 0 : i32
        %dma_wait3A_58 = arith.constant 0 : i32
        %dma_wait3A_59 = tpu.memref_slice %arg7[%dma_wait3A, %dma_wait3A_58] : memref<400x32xf32, #tpu.memory_space<vmem>> -> memref<125x32xf32, #tpu.memory_space<vmem>>
        %dma_wait3A_60 = arith.constant 0 : i32
        %dma_wait3A_61 = tpu.memref_slice %arg4[%add3A_47, %dma_wait3A_60] : memref<100000x32xf32, #tpu.memory_space<hbm>> -> memref<125x32xf32, #tpu.memory_space<hbm>>
        %dma_wait3A_62 = arith.constant 0 : i32
        %dma_wait3A_63 = tpu.memref_slice %arg4[%add3A_47, %dma_wait3A_62] : memref<100000x32xf32, #tpu.memory_space<hbm>> -> memref<125x32xf32, #tpu.memory_space<hbm>>
        %dma_wait3A_64 = arith.constant 0 : i32
        %dma_wait3A_65 = arith.constant 0 : i32
        %dma_wait3A_66 = tpu.memref_slice %arg7[%dma_wait3A_64, %dma_wait3A_65] : memref<400x32xf32, #tpu.memory_space<vmem>> -> memref<125x32xf32, #tpu.memory_space<vmem>>
        tpu.wait_dma2 semaphore(%run_scoped3A : memref<!tpu.dma_semaphore, #tpu.memory_space<semaphore_mem>>) src(%dma_wait3A_66 : memref<125x32xf32, #tpu.memory_space<vmem>>) dst(%dma_wait3A_63 : memref<125x32xf32, #tpu.memory_space<hbm>>)
        tpu.yield
      }) : () -> ()
    }
    %scan3A_40 = arith.constant 25 : i32
    return
  }
}

#map = affine_map<(d0, d1) -> (0)>
#map1 = affine_map<(d0, d1) -> (0, 0)>
module attributes {stable_mosaic.version = 14 : i64} {
  func.func @_gather_counts_body(%arg0: i32, %arg1: i32, %arg2: memref<1600000xi32, #tpu.memory_space<hbm>>, %arg3: memref<1600000xi32, #tpu.memory_space<hbm>>, %arg4: memref<100000x32xf32, #tpu.memory_space<hbm>>, %arg5: memref<1600000x32xf32, #tpu.memory_space<hbm>>, %arg6: memref<200000x16xf32, #tpu.memory_space<hbm>>, %arg7: memref<200xi32, #tpu.memory_space<vmem>>, %arg8: memref<200xi32, #tpu.memory_space<vmem>>, %arg9: memref<200xi32, #tpu.memory_space<vmem>>, %arg10: memref<200xi32, #tpu.memory_space<vmem>>, %arg11: memref<200x32xf32, #tpu.memory_space<vmem>>, %arg12: memref<200x32xf32, #tpu.memory_space<vmem>>, %arg13: memref<200x16xf32, #tpu.memory_space<vmem>>, %arg14: memref<100000x16xf32, #tpu.memory_space<vmem_shared>>, %arg15: memref<!tpu.dma_semaphore, #tpu.memory_space<semaphore_mem>>, %arg16: memref<!tpu.dma_semaphore, #tpu.memory_space<semaphore_mem>>, %arg17: memref<!tpu.dma_semaphore, #tpu.memory_space<semaphore_mem>>, %arg18: memref<!tpu.dma_semaphore, #tpu.memory_space<semaphore_mem>>, %arg19: memref<!tpu.dma_semaphore, #tpu.memory_space<semaphore_mem>>, %arg20: memref<!tpu.dma_semaphore, #tpu.memory_space<semaphore_mem>>, %arg21: memref<!tpu.dma_semaphore, #tpu.memory_space<semaphore_mem>>) attributes {dimension_semantics = [#tpu.dimension_semantics<core_parallel>, #tpu.dimension_semantics<subcore_parallel>], iteration_bounds = array<i64: 2, 16>, scalar_prefetch = 0 : i64, scratch_operands = 15 : i64, tpu.core_type = #tpu.core_type<sc_vector_subcore>, window_params = [{transform_indices = #map}, {transform_indices = #map}, {transform_indices = #map1}, {transform_indices = #map1}, {transform_indices = #map1}]} {
    %mul3A = arith.constant 2 : i32
    %mul3A_0 = arith.muli %arg1, %mul3A : i32
    %add3A = arith.addi %mul3A_0, %arg0 : i32
    %mul3A_1 = arith.constant 50000 : i32
    %mul3A_2 = arith.muli %add3A, %mul3A_1 : i32
    %broadcast_in_dim3A = arith.constant 0.000000e+00 : f32
    %broadcast_in_dim3A_3 = vector.broadcast %broadcast_in_dim3A : f32 to vector<16xf32>
    %scan3A = arith.constant 0 : i32
    %scan3A_4 = arith.constant 0 : i32
    %scan3A_5 = arith.constant 200 : i32
    %scan3A_6 = arith.addi %scan3A_4, %scan3A_5 : i32
    %scan3A_7 = arith.constant 1 : i32
    scf.for %scan3A_69 = %scan3A_4 to %scan3A_6 step %scan3A_7  : i32 {
      %swap3A = arith.index_cast %scan3A_69 : i32 to index
      %swap3A_70 = arith.constant 0 : index
      %swap3A_71 = tpu.vector_load %arg13[%swap3A, %swap3A_70] {strides = array<i32>} : memref<200x16xf32, #tpu.memory_space<vmem>>, vector<1x16xf32>,
      %swap3A_72 = vector.shape_cast %swap3A_71 : vector<1x16xf32> to vector<16xf32>
      %swap3A_73 = vector.shape_cast %broadcast_in_dim3A_3 : vector<16xf32> to vector<1x16xf32>
      tpu.vector_store %arg13[%swap3A, %swap3A_70], %swap3A_73 {strides = array<i32>} : memref<200x16xf32, #tpu.memory_space<vmem>>, vector<1x16xf32>,
    }
    %scan3A_8 = arith.constant 200 : i32
    %mul3A_9 = arith.constant 6250 : i32
    %mul3A_10 = arith.muli %arg1, %mul3A_9 : i32
    %scan3A_11 = arith.constant 0 : i32
    %scan3A_12 = arith.constant 0 : i32
    %scan3A_13 = arith.constant 31 : i32
    %scan3A_14 = arith.addi %scan3A_12, %scan3A_13 : i32
    %scan3A_15 = arith.constant 1 : i32
    scf.for %scan3A_69 = %scan3A_12 to %scan3A_14 step %scan3A_15  : i32 {
      %mul3A_70 = arith.constant 200 : i32
      %mul3A_71 = arith.muli %scan3A_69, %mul3A_70 : i32
      %add3A_72 = arith.addi %mul3A_10, %mul3A_71 : i32
      "tpu.region"() ({
        %run_scoped3A = tpu.sem_alloc : memref<!tpu.dma_semaphore, #tpu.memory_space<semaphore_mem>>
        %dma_start3A_73 = arith.constant 0 : i32
        %dma_start3A_74 = tpu.memref_slice %arg14[%add3A_72, %dma_start3A_73] : memref<100000x16xf32, #tpu.memory_space<vmem_shared>> -> memref<200x16xf32, #tpu.memory_space<vmem_shared>>
        %dma_start3A_75 = arith.constant 0 : i32
        %dma_start3A_76 = tpu.memref_slice %arg14[%add3A_72, %dma_start3A_75] : memref<100000x16xf32, #tpu.memory_space<vmem_shared>> -> memref<200x16xf32, #tpu.memory_space<vmem_shared>>
        tpu.enqueue_dma source(%arg13 : memref<200x16xf32, #tpu.memory_space<vmem>>) target(%dma_start3A_76 : memref<200x16xf32, #tpu.memory_space<vmem_shared>>) target_semaphore(%run_scoped3A : memref<!tpu.dma_semaphore, #tpu.memory_space<semaphore_mem>>)
        %dma_wait3A_77 = arith.constant 0 : i32
        %dma_wait3A_78 = tpu.memref_slice %arg14[%add3A_72, %dma_wait3A_77] : memref<100000x16xf32, #tpu.memory_space<vmem_shared>> -> memref<200x16xf32, #tpu.memory_space<vmem_shared>>
        %dma_wait3A_79 = arith.constant 0 : i32
        %dma_wait3A_80 = tpu.memref_slice %arg14[%add3A_72, %dma_wait3A_79] : memref<100000x16xf32, #tpu.memory_space<vmem_shared>> -> memref<200x16xf32, #tpu.memory_space<vmem_shared>>
        tpu.wait_dma2 semaphore(%run_scoped3A : memref<!tpu.dma_semaphore, #tpu.memory_space<semaphore_mem>>) src(%arg13 : memref<200x16xf32, #tpu.memory_space<vmem>>) dst(%dma_wait3A_80 : memref<200x16xf32, #tpu.memory_space<vmem_shared>>)
        tpu.yield
      }) : () -> ()
    }
    %scan3A_16 = arith.constant 31 : i32
    %add3A_17 = arith.constant 6250 : i32
    %add3A_18 = arith.addi %mul3A_10, %add3A_17 : i32
    %sub3A = arith.constant 50 : i32
    %sub3A_19 = arith.subi %add3A_18, %sub3A : i32
    "tpu.region"() ({
      %run_scoped3A = tpu.sem_alloc : memref<!tpu.dma_semaphore, #tpu.memory_space<semaphore_mem>>
      %dma_start3A_69 = arith.constant 0 : i32
      %dma_start3A_70 = arith.constant 0 : i32
      %dma_start3A_71 = tpu.memref_slice %arg13[%dma_start3A_69, %dma_start3A_70] : memref<200x16xf32, #tpu.memory_space<vmem>> -> memref<50x16xf32, #tpu.memory_space<vmem>>
      %dma_start3A_72 = arith.constant 0 : i32
      %dma_start3A_73 = tpu.memref_slice %arg14[%sub3A_19, %dma_start3A_72] : memref<100000x16xf32, #tpu.memory_space<vmem_shared>> -> memref<50x16xf32, #tpu.memory_space<vmem_shared>>
      %dma_start3A_74 = arith.constant 0 : i32
      %dma_start3A_75 = tpu.memref_slice %arg14[%sub3A_19, %dma_start3A_74] : memref<100000x16xf32, #tpu.memory_space<vmem_shared>> -> memref<50x16xf32, #tpu.memory_space<vmem_shared>>
      %dma_start3A_76 = arith.constant 0 : i32
      %dma_start3A_77 = arith.constant 0 : i32
      %dma_start3A_78 = tpu.memref_slice %arg13[%dma_start3A_76, %dma_start3A_77] : memref<200x16xf32, #tpu.memory_space<vmem>> -> memref<50x16xf32, #tpu.memory_space<vmem>>
      tpu.enqueue_dma source(%dma_start3A_78 : memref<50x16xf32, #tpu.memory_space<vmem>>) target(%dma_start3A_75 : memref<50x16xf32, #tpu.memory_space<vmem_shared>>) target_semaphore(%run_scoped3A : memref<!tpu.dma_semaphore, #tpu.memory_space<semaphore_mem>>)
      %dma_wait3A_79 = arith.constant 0 : i32
      %dma_wait3A_80 = arith.constant 0 : i32
      %dma_wait3A_81 = tpu.memref_slice %arg13[%dma_wait3A_79, %dma_wait3A_80] : memref<200x16xf32, #tpu.memory_space<vmem>> -> memref<50x16xf32, #tpu.memory_space<vmem>>
      %dma_wait3A_82 = arith.constant 0 : i32
      %dma_wait3A_83 = tpu.memref_slice %arg14[%sub3A_19, %dma_wait3A_82] : memref<100000x16xf32, #tpu.memory_space<vmem_shared>> -> memref<50x16xf32, #tpu.memory_space<vmem_shared>>
      %dma_wait3A_84 = arith.constant 0 : i32
      %dma_wait3A_85 = tpu.memref_slice %arg14[%sub3A_19, %dma_wait3A_84] : memref<100000x16xf32, #tpu.memory_space<vmem_shared>> -> memref<50x16xf32, #tpu.memory_space<vmem_shared>>
      %dma_wait3A_86 = arith.constant 0 : i32
      %dma_wait3A_87 = arith.constant 0 : i32
      %dma_wait3A_88 = tpu.memref_slice %arg13[%dma_wait3A_86, %dma_wait3A_87] : memref<200x16xf32, #tpu.memory_space<vmem>> -> memref<50x16xf32, #tpu.memory_space<vmem>>
      tpu.wait_dma2 semaphore(%run_scoped3A : memref<!tpu.dma_semaphore, #tpu.memory_space<semaphore_mem>>) src(%dma_wait3A_88 : memref<50x16xf32, #tpu.memory_space<vmem>>) dst(%dma_wait3A_85 : memref<50x16xf32, #tpu.memory_space<vmem_shared>>)
      tpu.yield
    }) : () -> ()
    %iota3A = tpu.iota {dimensions = array<i32: 0>} : vector<16xi32>
    %eq3A = arith.constant 0 : i32
    %eq3A_20 = vector.broadcast %eq3A : i32 to vector<16xi32>
    %eq3A_21 = arith.cmpi eq, %iota3A, %eq3A_20 : vector<16xi32>
    %jit3A = arith.constant 1.000000e+00 : f32
    %jit3A_22 = arith.constant 0.000000e+00 : f32
    %broadcast_in_dim3A_23 = vector.broadcast %jit3A : f32 to vector<16xf32>
    %broadcast_in_dim3A_24 = vector.broadcast %jit3A_22 : f32 to vector<16xf32>
    %select_n3A = arith.select %eq3A_21, %broadcast_in_dim3A_23, %broadcast_in_dim3A_24 : vector<16xi1>, vector<16xf32>
    %scan3A_25 = arith.constant 0 : i32
    %scan3A_26 = arith.constant 0 : i32
    %scan3A_27 = arith.constant 200 : i32
    %scan3A_28 = arith.addi %scan3A_26, %scan3A_27 : i32
    %scan3A_29 = arith.constant 1 : i32
    scf.for %scan3A_69 = %scan3A_26 to %scan3A_28 step %scan3A_29  : i32 {
      %swap3A = arith.index_cast %scan3A_69 : i32 to index
      %swap3A_70 = arith.constant 0 : index
      %swap3A_71 = tpu.vector_load %arg13[%swap3A, %swap3A_70] {strides = array<i32>} : memref<200x16xf32, #tpu.memory_space<vmem>>, vector<1x16xf32>,
      %swap3A_72 = vector.shape_cast %swap3A_71 : vector<1x16xf32> to vector<16xf32>
      %swap3A_73 = vector.shape_cast %select_n3A : vector<16xf32> to vector<1x16xf32>
      tpu.vector_store %arg13[%swap3A, %swap3A_70], %swap3A_73 {strides = array<i32>} : memref<200x16xf32, #tpu.memory_space<vmem>>, vector<1x16xf32>,
    }
    %scan3A_30 = arith.constant 200 : i32
    %barrier3A = arith.constant 0 : index
    tpu.barrier barrier_id(%barrier3A)
    %add3A_31 = arith.constant 0 : i32
    %add3A_32 = arith.addi %mul3A_2, %add3A_31 : i32
    %dma_start3A = tpu.memref_slice %arg2[%add3A_32] : memref<1600000xi32, #tpu.memory_space<hbm>> -> memref<200xi32, #tpu.memory_space<hbm>>
    %dma_start3A_33 = tpu.memref_slice %arg2[%add3A_32] : memref<1600000xi32, #tpu.memory_space<hbm>> -> memref<200xi32, #tpu.memory_space<hbm>>
    tpu.enqueue_dma source(%dma_start3A_33 : memref<200xi32, #tpu.memory_space<hbm>>) target(%arg7 : memref<200xi32, #tpu.memory_space<vmem>>) target_semaphore(%arg15 : memref<!tpu.dma_semaphore, #tpu.memory_space<semaphore_mem>>)
    %add3A_34 = arith.constant 0 : i32
    %add3A_35 = arith.addi %mul3A_2, %add3A_34 : i32
    %dma_start3A_36 = tpu.memref_slice %arg3[%add3A_35] : memref<1600000xi32, #tpu.memory_space<hbm>> -> memref<200xi32, #tpu.memory_space<hbm>>
    %dma_start3A_37 = tpu.memref_slice %arg3[%add3A_35] : memref<1600000xi32, #tpu.memory_space<hbm>> -> memref<200xi32, #tpu.memory_space<hbm>>
    tpu.enqueue_dma source(%dma_start3A_37 : memref<200xi32, #tpu.memory_space<hbm>>) target(%arg9 : memref<200xi32, #tpu.memory_space<vmem>>) target_semaphore(%arg17 : memref<!tpu.dma_semaphore, #tpu.memory_space<semaphore_mem>>)
    %scan3A_38 = arith.constant 0 : i32
    %scan3A_39 = arith.constant 0 : i32
    %scan3A_40 = arith.constant 125 : i32
    %scan3A_41 = arith.addi %scan3A_39, %scan3A_40 : i32
    %scan3A_42 = arith.constant 1 : i32
    scf.for %scan3A_69 = %scan3A_39 to %scan3A_41 step %scan3A_42  : i32 {
      %mul3A_70 = arith.constant 2 : i32
      %mul3A_71 = arith.muli %scan3A_69, %mul3A_70 : i32
      %add3A_72 = arith.constant 0 : i32
      %add3A_73 = arith.addi %mul3A_71, %add3A_72 : i32
      %add3A_74 = arith.constant 1 : i32
      %add3A_75 = arith.addi %add3A_73, %add3A_74 : i32
      %lt3A = arith.constant 250 : i32
      %lt3A_76 = arith.cmpi slt, %add3A_75, %lt3A : i32
      %convert_element_type3A = arith.extui %lt3A_76 : i1 to i32
      %cond3A = arith.constant 0 : i32
      %cond3A_77 = arith.cmpi ne, %convert_element_type3A, %cond3A : i32
      scf.if %cond3A_77 {
        %add3A_144 = arith.constant 1 : i32
        %add3A_145 = arith.addi %add3A_73, %add3A_144 : i32
        %mul3A_146 = arith.constant 200 : i32
        %mul3A_147 = arith.muli %add3A_145, %mul3A_146 : i32
        %add3A_148 = arith.addi %mul3A_2, %mul3A_147 : i32
        %dma_start3A_149 = tpu.memref_slice %arg2[%add3A_148] : memref<1600000xi32, #tpu.memory_space<hbm>> -> memref<200xi32, #tpu.memory_space<hbm>>
        %dma_start3A_150 = tpu.memref_slice %arg2[%add3A_148] : memref<1600000xi32, #tpu.memory_space<hbm>> -> memref<200xi32, #tpu.memory_space<hbm>>
        tpu.enqueue_dma source(%dma_start3A_150 : memref<200xi32, #tpu.memory_space<hbm>>) target(%arg8 : memref<200xi32, #tpu.memory_space<vmem>>) target_semaphore(%arg16 : memref<!tpu.dma_semaphore, #tpu.memory_space<semaphore_mem>>)
        %mul3A_151 = arith.constant 200 : i32
        %mul3A_152 = arith.muli %add3A_145, %mul3A_151 : i32
        %add3A_153 = arith.addi %mul3A_2, %mul3A_152 : i32
        %dma_start3A_154 = tpu.memref_slice %arg3[%add3A_153] : memref<1600000xi32, #tpu.memory_space<hbm>> -> memref<200xi32, #tpu.memory_space<hbm>>
        %dma_start3A_155 = tpu.memref_slice %arg3[%add3A_153] : memref<1600000xi32, #tpu.memory_space<hbm>> -> memref<200xi32, #tpu.memory_space<hbm>>
        tpu.enqueue_dma source(%dma_start3A_155 : memref<200xi32, #tpu.memory_space<hbm>>) target(%arg10 : memref<200xi32, #tpu.memory_space<vmem>>) target_semaphore(%arg18 : memref<!tpu.dma_semaphore, #tpu.memory_space<semaphore_mem>>)
      } else {
      }
      %mul3A_78 = arith.constant 200 : i32
      %mul3A_79 = arith.muli %add3A_73, %mul3A_78 : i32
      %add3A_80 = arith.addi %mul3A_2, %mul3A_79 : i32
      %dma_wait3A_81 = tpu.memref_slice %arg2[%add3A_80] : memref<1600000xi32, #tpu.memory_space<hbm>> -> memref<200xi32, #tpu.memory_space<hbm>>
      %dma_wait3A_82 = tpu.memref_slice %arg2[%add3A_80] : memref<1600000xi32, #tpu.memory_space<hbm>> -> memref<200xi32, #tpu.memory_space<hbm>>
      tpu.wait_dma2 semaphore(%arg15 : memref<!tpu.dma_semaphore, #tpu.memory_space<semaphore_mem>>) src(%dma_wait3A_82 : memref<200xi32, #tpu.memory_space<hbm>>) dst(%arg7 : memref<200xi32, #tpu.memory_space<vmem>>)
      %ge3A = arith.constant 2 : i32
      %ge3A_83 = arith.cmpi sge, %add3A_73, %ge3A : i32
      %convert_element_type3A_84 = arith.extui %ge3A_83 : i1 to i32
      %cond3A_85 = arith.constant 0 : i32
      %cond3A_86 = arith.cmpi ne, %convert_element_type3A_84, %cond3A_85 : i32
      scf.if %cond3A_86 {
        %sub3A_144 = arith.constant 2 : i32
        %sub3A_145 = arith.subi %add3A_73, %sub3A_144 : i32
        %mul3A_146 = arith.constant 200 : i32
        %mul3A_147 = arith.muli %sub3A_145, %mul3A_146 : i32
        %add3A_148 = arith.addi %mul3A_2, %mul3A_147 : i32
        %dma_wait3A_149 = arith.constant 0 : i32
        %dma_wait3A_150 = tpu.memref_slice %arg5[%add3A_148, %dma_wait3A_149] : memref<1600000x32xf32, #tpu.memory_space<hbm>> -> memref<200x32xf32, #tpu.memory_space<hbm>>
        %dma_wait3A_151 = arith.constant 0 : i32
        %dma_wait3A_152 = tpu.memref_slice %arg5[%add3A_148, %dma_wait3A_151] : memref<1600000x32xf32, #tpu.memory_space<hbm>> -> memref<200x32xf32, #tpu.memory_space<hbm>>
        tpu.wait_dma2 semaphore(%arg20 : memref<!tpu.dma_semaphore, #tpu.memory_space<semaphore_mem>>) src(%arg11 : memref<200x32xf32, #tpu.memory_space<vmem>>) dst(%dma_wait3A_152 : memref<200x32xf32, #tpu.memory_space<hbm>>)
      } else {
      }
      %dma_start3A_87 = arith.constant 0 : i32
      %dma_start3A_88 = arith.constant 0 : i32
      %dma_start3A_89 = tpu.memref_slice %arg4[%dma_start3A_87, %dma_start3A_88] : memref<100000x32xf32, #tpu.memory_space<hbm>> -> memref<100000x32xf32, #tpu.memory_space<hbm>>
      tpu.enqueue_indirect_dma source(%dma_start3A_89 : memref<100000x32xf32, #tpu.memory_space<hbm>>) target(%arg11 : memref<200x32xf32, #tpu.memory_space<vmem>>) offsets(%arg7 : memref<200xi32, #tpu.memory_space<vmem>>) semaphore(%arg19 : memref<!tpu.dma_semaphore, #tpu.memory_space<semaphore_mem>>)
      %dma_wait3A_90 = arith.constant 0 : i32
      %dma_wait3A_91 = arith.constant 0 : i32
      %dma_wait3A_92 = tpu.memref_slice %arg4[%dma_wait3A_90, %dma_wait3A_91] : memref<100000x32xf32, #tpu.memory_space<hbm>> -> memref<100000x32xf32, #tpu.memory_space<hbm>>
      tpu.wait_indirect_dma semaphore(%arg19 : memref<!tpu.dma_semaphore, #tpu.memory_space<semaphore_mem>>) src(%dma_wait3A_92 : memref<100000x32xf32, #tpu.memory_space<hbm>>) dst(%arg11 : memref<200x32xf32, #tpu.memory_space<vmem>>)
      %mul3A_93 = arith.constant 200 : i32
      %mul3A_94 = arith.muli %add3A_73, %mul3A_93 : i32
      %add3A_95 = arith.addi %mul3A_2, %mul3A_94 : i32
      %dma_start3A_96 = arith.constant 0 : i32
      %dma_start3A_97 = tpu.memref_slice %arg5[%add3A_95, %dma_start3A_96] : memref<1600000x32xf32, #tpu.memory_space<hbm>> -> memref<200x32xf32, #tpu.memory_space<hbm>>
      %dma_start3A_98 = arith.constant 0 : i32
      %dma_start3A_99 = tpu.memref_slice %arg5[%add3A_95, %dma_start3A_98] : memref<1600000x32xf32, #tpu.memory_space<hbm>> -> memref<200x32xf32, #tpu.memory_space<hbm>>
      tpu.enqueue_dma source(%arg11 : memref<200x32xf32, #tpu.memory_space<vmem>>) target(%dma_start3A_99 : memref<200x32xf32, #tpu.memory_space<hbm>>) target_semaphore(%arg20 : memref<!tpu.dma_semaphore, #tpu.memory_space<semaphore_mem>>)
      %mul3A_100 = arith.constant 200 : i32
      %mul3A_101 = arith.muli %add3A_73, %mul3A_100 : i32
      %add3A_102 = arith.addi %mul3A_2, %mul3A_101 : i32
      %dma_wait3A_103 = tpu.memref_slice %arg3[%add3A_102] : memref<1600000xi32, #tpu.memory_space<hbm>> -> memref<200xi32, #tpu.memory_space<hbm>>
      %dma_wait3A_104 = tpu.memref_slice %arg3[%add3A_102] : memref<1600000xi32, #tpu.memory_space<hbm>> -> memref<200xi32, #tpu.memory_space<hbm>>
      tpu.wait_dma2 semaphore(%arg17 : memref<!tpu.dma_semaphore, #tpu.memory_space<semaphore_mem>>) src(%dma_wait3A_104 : memref<200xi32, #tpu.memory_space<hbm>>) dst(%arg9 : memref<200xi32, #tpu.memory_space<vmem>>)
      "tpu.region"() ({
        %run_scoped3A = tpu.sem_alloc : memref<!tpu.dma_semaphore, #tpu.memory_space<semaphore_mem>>
        %dma_start3A_144 = arith.constant 0 : i32
        %dma_start3A_145 = arith.constant 0 : i32
        %dma_start3A_146 = tpu.memref_slice %arg14[%dma_start3A_144, %dma_start3A_145] : memref<100000x16xf32, #tpu.memory_space<vmem_shared>> -> memref<100000x16xf32, #tpu.memory_space<vmem_shared>>
        tpu.enqueue_indirect_dma source(%arg13 : memref<200x16xf32, #tpu.memory_space<vmem>>) target(%dma_start3A_146 : memref<100000x16xf32, #tpu.memory_space<vmem_shared>>) offsets(%arg9 : memref<200xi32, #tpu.memory_space<vmem>>) semaphore(%run_scoped3A : memref<!tpu.dma_semaphore, #tpu.memory_space<semaphore_mem>>) {add = true}
        %dma_wait3A_147 = arith.constant 0 : i32
        %dma_wait3A_148 = arith.constant 0 : i32
        %dma_wait3A_149 = tpu.memref_slice %arg14[%dma_wait3A_147, %dma_wait3A_148] : memref<100000x16xf32, #tpu.memory_space<vmem_shared>> -> memref<100000x16xf32, #tpu.memory_space<vmem_shared>>
        tpu.wait_indirect_dma semaphore(%run_scoped3A : memref<!tpu.dma_semaphore, #tpu.memory_space<semaphore_mem>>) src(%arg13 : memref<200x16xf32, #tpu.memory_space<vmem>>) dst(%dma_wait3A_149 : memref<100000x16xf32, #tpu.memory_space<vmem_shared>>)
        tpu.yield
      }) : () -> ()
      %mul3A_105 = arith.constant 2 : i32
      %mul3A_106 = arith.muli %scan3A_69, %mul3A_105 : i32
      %add3A_107 = arith.constant 1 : i32
      %add3A_108 = arith.addi %mul3A_106, %add3A_107 : i32
      %add3A_109 = arith.constant 1 : i32
      %add3A_110 = arith.addi %add3A_108, %add3A_109 : i32
      %lt3A_111 = arith.constant 250 : i32
      %lt3A_112 = arith.cmpi slt, %add3A_110, %lt3A_111 : i32
      %convert_element_type3A_113 = arith.extui %lt3A_112 : i1 to i32
      %cond3A_114 = arith.constant 0 : i32
      %cond3A_115 = arith.cmpi ne, %convert_element_type3A_113, %cond3A_114 : i32
      scf.if %cond3A_115 {
        %add3A_144 = arith.constant 1 : i32
        %add3A_145 = arith.addi %add3A_108, %add3A_144 : i32
        %mul3A_146 = arith.constant 200 : i32
        %mul3A_147 = arith.muli %add3A_145, %mul3A_146 : i32
        %add3A_148 = arith.addi %mul3A_2, %mul3A_147 : i32
        %dma_start3A_149 = tpu.memref_slice %arg2[%add3A_148] : memref<1600000xi32, #tpu.memory_space<hbm>> -> memref<200xi32, #tpu.memory_space<hbm>>
        %dma_start3A_150 = tpu.memref_slice %arg2[%add3A_148] : memref<1600000xi32, #tpu.memory_space<hbm>> -> memref<200xi32, #tpu.memory_space<hbm>>
        tpu.enqueue_dma source(%dma_start3A_150 : memref<200xi32, #tpu.memory_space<hbm>>) target(%arg7 : memref<200xi32, #tpu.memory_space<vmem>>) target_semaphore(%arg15 : memref<!tpu.dma_semaphore, #tpu.memory_space<semaphore_mem>>)
        %mul3A_151 = arith.constant 200 : i32
        %mul3A_152 = arith.muli %add3A_145, %mul3A_151 : i32
        %add3A_153 = arith.addi %mul3A_2, %mul3A_152 : i32
        %dma_start3A_154 = tpu.memref_slice %arg3[%add3A_153] : memref<1600000xi32, #tpu.memory_space<hbm>> -> memref<200xi32, #tpu.memory_space<hbm>>
        %dma_start3A_155 = tpu.memref_slice %arg3[%add3A_153] : memref<1600000xi32, #tpu.memory_space<hbm>> -> memref<200xi32, #tpu.memory_space<hbm>>
        tpu.enqueue_dma source(%dma_start3A_155 : memref<200xi32, #tpu.memory_space<hbm>>) target(%arg9 : memref<200xi32, #tpu.memory_space<vmem>>) target_semaphore(%arg17 : memref<!tpu.dma_semaphore, #tpu.memory_space<semaphore_mem>>)
      } else {
      }
      %mul3A_116 = arith.constant 200 : i32
      %mul3A_117 = arith.muli %add3A_108, %mul3A_116 : i32
      %add3A_118 = arith.addi %mul3A_2, %mul3A_117 : i32
      %dma_wait3A_119 = tpu.memref_slice %arg2[%add3A_118] : memref<1600000xi32, #tpu.memory_space<hbm>> -> memref<200xi32, #tpu.memory_space<hbm>>
      %dma_wait3A_120 = tpu.memref_slice %arg2[%add3A_118] : memref<1600000xi32, #tpu.memory_space<hbm>> -> memref<200xi32, #tpu.memory_space<hbm>>
      tpu.wait_dma2 semaphore(%arg16 : memref<!tpu.dma_semaphore, #tpu.memory_space<semaphore_mem>>) src(%dma_wait3A_120 : memref<200xi32, #tpu.memory_space<hbm>>) dst(%arg8 : memref<200xi32, #tpu.memory_space<vmem>>)
      %ge3A_121 = arith.constant 2 : i32
      %ge3A_122 = arith.cmpi sge, %add3A_108, %ge3A_121 : i32
      %convert_element_type3A_123 = arith.extui %ge3A_122 : i1 to i32
      %cond3A_124 = arith.constant 0 : i32
      %cond3A_125 = arith.cmpi ne, %convert_element_type3A_123, %cond3A_124 : i32
      scf.if %cond3A_125 {
        %sub3A_144 = arith.constant 2 : i32
        %sub3A_145 = arith.subi %add3A_108, %sub3A_144 : i32
        %mul3A_146 = arith.constant 200 : i32
        %mul3A_147 = arith.muli %sub3A_145, %mul3A_146 : i32
        %add3A_148 = arith.addi %mul3A_2, %mul3A_147 : i32
        %dma_wait3A_149 = arith.constant 0 : i32
        %dma_wait3A_150 = tpu.memref_slice %arg5[%add3A_148, %dma_wait3A_149] : memref<1600000x32xf32, #tpu.memory_space<hbm>> -> memref<200x32xf32, #tpu.memory_space<hbm>>
        %dma_wait3A_151 = arith.constant 0 : i32
        %dma_wait3A_152 = tpu.memref_slice %arg5[%add3A_148, %dma_wait3A_151] : memref<1600000x32xf32, #tpu.memory_space<hbm>> -> memref<200x32xf32, #tpu.memory_space<hbm>>
        tpu.wait_dma2 semaphore(%arg21 : memref<!tpu.dma_semaphore, #tpu.memory_space<semaphore_mem>>) src(%arg12 : memref<200x32xf32, #tpu.memory_space<vmem>>) dst(%dma_wait3A_152 : memref<200x32xf32, #tpu.memory_space<hbm>>)
      } else {
      }
      %dma_start3A_126 = arith.constant 0 : i32
      %dma_start3A_127 = arith.constant 0 : i32
      %dma_start3A_128 = tpu.memref_slice %arg4[%dma_start3A_126, %dma_start3A_127] : memref<100000x32xf32, #tpu.memory_space<hbm>> -> memref<100000x32xf32, #tpu.memory_space<hbm>>
      tpu.enqueue_indirect_dma source(%dma_start3A_128 : memref<100000x32xf32, #tpu.memory_space<hbm>>) target(%arg12 : memref<200x32xf32, #tpu.memory_space<vmem>>) offsets(%arg8 : memref<200xi32, #tpu.memory_space<vmem>>) semaphore(%arg19 : memref<!tpu.dma_semaphore, #tpu.memory_space<semaphore_mem>>)
      %dma_wait3A_129 = arith.constant 0 : i32
      %dma_wait3A_130 = arith.constant 0 : i32
      %dma_wait3A_131 = tpu.memref_slice %arg4[%dma_wait3A_129, %dma_wait3A_130] : memref<100000x32xf32, #tpu.memory_space<hbm>> -> memref<100000x32xf32, #tpu.memory_space<hbm>>
      tpu.wait_indirect_dma semaphore(%arg19 : memref<!tpu.dma_semaphore, #tpu.memory_space<semaphore_mem>>) src(%dma_wait3A_131 : memref<100000x32xf32, #tpu.memory_space<hbm>>) dst(%arg12 : memref<200x32xf32, #tpu.memory_space<vmem>>)
      %mul3A_132 = arith.constant 200 : i32
      %mul3A_133 = arith.muli %add3A_108, %mul3A_132 : i32
      %add3A_134 = arith.addi %mul3A_2, %mul3A_133 : i32
      %dma_start3A_135 = arith.constant 0 : i32
      %dma_start3A_136 = tpu.memref_slice %arg5[%add3A_134, %dma_start3A_135] : memref<1600000x32xf32, #tpu.memory_space<hbm>> -> memref<200x32xf32, #tpu.memory_space<hbm>>
      %dma_start3A_137 = arith.constant 0 : i32
      %dma_start3A_138 = tpu.memref_slice %arg5[%add3A_134, %dma_start3A_137] : memref<1600000x32xf32, #tpu.memory_space<hbm>> -> memref<200x32xf32, #tpu.memory_space<hbm>>
      tpu.enqueue_dma source(%arg12 : memref<200x32xf32, #tpu.memory_space<vmem>>) target(%dma_start3A_138 : memref<200x32xf32, #tpu.memory_space<hbm>>) target_semaphore(%arg21 : memref<!tpu.dma_semaphore, #tpu.memory_space<semaphore_mem>>)
      %mul3A_139 = arith.constant 200 : i32
      %mul3A_140 = arith.muli %add3A_108, %mul3A_139 : i32
      %add3A_141 = arith.addi %mul3A_2, %mul3A_140 : i32
      %dma_wait3A_142 = tpu.memref_slice %arg3[%add3A_141] : memref<1600000xi32, #tpu.memory_space<hbm>> -> memref<200xi32, #tpu.memory_space<hbm>>
      %dma_wait3A_143 = tpu.memref_slice %arg3[%add3A_141] : memref<1600000xi32, #tpu.memory_space<hbm>> -> memref<200xi32, #tpu.memory_space<hbm>>
      tpu.wait_dma2 semaphore(%arg18 : memref<!tpu.dma_semaphore, #tpu.memory_space<semaphore_mem>>) src(%dma_wait3A_143 : memref<200xi32, #tpu.memory_space<hbm>>) dst(%arg10 : memref<200xi32, #tpu.memory_space<vmem>>)
      "tpu.region"() ({
        %run_scoped3A = tpu.sem_alloc : memref<!tpu.dma_semaphore, #tpu.memory_space<semaphore_mem>>
        %dma_start3A_144 = arith.constant 0 : i32
        %dma_start3A_145 = arith.constant 0 : i32
        %dma_start3A_146 = tpu.memref_slice %arg14[%dma_start3A_144, %dma_start3A_145] : memref<100000x16xf32, #tpu.memory_space<vmem_shared>> -> memref<100000x16xf32, #tpu.memory_space<vmem_shared>>
        tpu.enqueue_indirect_dma source(%arg13 : memref<200x16xf32, #tpu.memory_space<vmem>>) target(%dma_start3A_146 : memref<100000x16xf32, #tpu.memory_space<vmem_shared>>) offsets(%arg10 : memref<200xi32, #tpu.memory_space<vmem>>) semaphore(%run_scoped3A : memref<!tpu.dma_semaphore, #tpu.memory_space<semaphore_mem>>) {add = true}
        %dma_wait3A_147 = arith.constant 0 : i32
        %dma_wait3A_148 = arith.constant 0 : i32
        %dma_wait3A_149 = tpu.memref_slice %arg14[%dma_wait3A_147, %dma_wait3A_148] : memref<100000x16xf32, #tpu.memory_space<vmem_shared>> -> memref<100000x16xf32, #tpu.memory_space<vmem_shared>>
        tpu.wait_indirect_dma semaphore(%run_scoped3A : memref<!tpu.dma_semaphore, #tpu.memory_space<semaphore_mem>>) src(%arg13 : memref<200x16xf32, #tpu.memory_space<vmem>>) dst(%dma_wait3A_149 : memref<100000x16xf32, #tpu.memory_space<vmem_shared>>)
        tpu.yield
      }) : () -> ()
    }
    %scan3A_43 = arith.constant 125 : i32
    %add3A_44 = arith.constant 49600 : i32
    %add3A_45 = arith.addi %mul3A_2, %add3A_44 : i32
    %dma_wait3A = arith.constant 0 : i32
    %dma_wait3A_46 = tpu.memref_slice %arg5[%add3A_45, %dma_wait3A] : memref<1600000x32xf32, #tpu.memory_space<hbm>> -> memref<200x32xf32, #tpu.memory_space<hbm>>
    %dma_wait3A_47 = arith.constant 0 : i32
    %dma_wait3A_48 = tpu.memref_slice %arg5[%add3A_45, %dma_wait3A_47] : memref<1600000x32xf32, #tpu.memory_space<hbm>> -> memref<200x32xf32, #tpu.memory_space<hbm>>
    tpu.wait_dma2 semaphore(%arg20 : memref<!tpu.dma_semaphore, #tpu.memory_space<semaphore_mem>>) src(%arg11 : memref<200x32xf32, #tpu.memory_space<vmem>>) dst(%dma_wait3A_48 : memref<200x32xf32, #tpu.memory_space<hbm>>)
    %add3A_49 = arith.constant 49800 : i32
    %add3A_50 = arith.addi %mul3A_2, %add3A_49 : i32
    %dma_wait3A_51 = arith.constant 0 : i32
    %dma_wait3A_52 = tpu.memref_slice %arg5[%add3A_50, %dma_wait3A_51] : memref<1600000x32xf32, #tpu.memory_space<hbm>> -> memref<200x32xf32, #tpu.memory_space<hbm>>
    %dma_wait3A_53 = arith.constant 0 : i32
    %dma_wait3A_54 = tpu.memref_slice %arg5[%add3A_50, %dma_wait3A_53] : memref<1600000x32xf32, #tpu.memory_space<hbm>> -> memref<200x32xf32, #tpu.memory_space<hbm>>
    tpu.wait_dma2 semaphore(%arg21 : memref<!tpu.dma_semaphore, #tpu.memory_space<semaphore_mem>>) src(%arg12 : memref<200x32xf32, #tpu.memory_space<vmem>>) dst(%dma_wait3A_54 : memref<200x32xf32, #tpu.memory_space<hbm>>)
    %barrier3A_55 = arith.constant 0 : index
    tpu.barrier barrier_id(%barrier3A_55)
    %mul3A_56 = arith.constant 100000 : i32
    %mul3A_57 = arith.muli %arg0, %mul3A_56 : i32
    %add3A_58 = arith.addi %mul3A_57, %mul3A_10 : i32
    %scan3A_59 = arith.constant 0 : i32
    %scan3A_60 = arith.constant 0 : i32
    %scan3A_61 = arith.constant 31 : i32
    %scan3A_62 = arith.addi %scan3A_60, %scan3A_61 : i32
    %scan3A_63 = arith.constant 1 : i32
    scf.for %scan3A_69 = %scan3A_60 to %scan3A_62 step %scan3A_63  : i32 {
      %mul3A_70 = arith.constant 200 : i32
      %mul3A_71 = arith.muli %scan3A_69, %mul3A_70 : i32
      %add3A_72 = arith.addi %mul3A_10, %mul3A_71 : i32
      "tpu.region"() ({
        %run_scoped3A = tpu.sem_alloc : memref<!tpu.dma_semaphore, #tpu.memory_space<semaphore_mem>>
        %dma_start3A_76 = arith.constant 0 : i32
        %dma_start3A_77 = tpu.memref_slice %arg14[%add3A_72, %dma_start3A_76] : memref<100000x16xf32, #tpu.memory_space<vmem_shared>> -> memref<200x16xf32, #tpu.memory_space<vmem_shared>>
        %dma_start3A_78 = arith.constant 0 : i32
        %dma_start3A_79 = tpu.memref_slice %arg14[%add3A_72, %dma_start3A_78] : memref<100000x16xf32, #tpu.memory_space<vmem_shared>> -> memref<200x16xf32, #tpu.memory_space<vmem_shared>>
        tpu.enqueue_dma source(%dma_start3A_79 : memref<200x16xf32, #tpu.memory_space<vmem_shared>>) target(%arg13 : memref<200x16xf32, #tpu.memory_space<vmem>>) target_semaphore(%run_scoped3A : memref<!tpu.dma_semaphore, #tpu.memory_space<semaphore_mem>>)
        %dma_wait3A_80 = arith.constant 0 : i32
        %dma_wait3A_81 = tpu.memref_slice %arg14[%add3A_72, %dma_wait3A_80] : memref<100000x16xf32, #tpu.memory_space<vmem_shared>> -> memref<200x16xf32, #tpu.memory_space<vmem_shared>>
        %dma_wait3A_82 = arith.constant 0 : i32
        %dma_wait3A_83 = tpu.memref_slice %arg14[%add3A_72, %dma_wait3A_82] : memref<100000x16xf32, #tpu.memory_space<vmem_shared>> -> memref<200x16xf32, #tpu.memory_space<vmem_shared>>
        tpu.wait_dma2 semaphore(%run_scoped3A : memref<!tpu.dma_semaphore, #tpu.memory_space<semaphore_mem>>) src(%dma_wait3A_83 : memref<200x16xf32, #tpu.memory_space<vmem_shared>>) dst(%arg13 : memref<200x16xf32, #tpu.memory_space<vmem>>)
        tpu.yield
      }) : () -> ()
      %mul3A_73 = arith.constant 200 : i32
      %mul3A_74 = arith.muli %scan3A_69, %mul3A_73 : i32
      %add3A_75 = arith.addi %add3A_58, %mul3A_74 : i32
      "tpu.region"() ({
        %run_scoped3A = tpu.sem_alloc : memref<!tpu.dma_semaphore, #tpu.memory_space<semaphore_mem>>
        %dma_start3A_76 = arith.constant 0 : i32
        %dma_start3A_77 = tpu.memref_slice %arg6[%add3A_75, %dma_start3A_76] : memref<200000x16xf32, #tpu.memory_space<hbm>> -> memref<200x16xf32, #tpu.memory_space<hbm>>
        %dma_start3A_78 = arith.constant 0 : i32
        %dma_start3A_79 = tpu.memref_slice %arg6[%add3A_75, %dma_start3A_78] : memref<200000x16xf32, #tpu.memory_space<hbm>> -> memref<200x16xf32, #tpu.memory_space<hbm>>
        tpu.enqueue_dma source(%arg13 : memref<200x16xf32, #tpu.memory_space<vmem>>) target(%dma_start3A_79 : memref<200x16xf32, #tpu.memory_space<hbm>>) target_semaphore(%run_scoped3A : memref<!tpu.dma_semaphore, #tpu.memory_space<semaphore_mem>>)
        %dma_wait3A_80 = arith.constant 0 : i32
        %dma_wait3A_81 = tpu.memref_slice %arg6[%add3A_75, %dma_wait3A_80] : memref<200000x16xf32, #tpu.memory_space<hbm>> -> memref<200x16xf32, #tpu.memory_space<hbm>>
        %dma_wait3A_82 = arith.constant 0 : i32
        %dma_wait3A_83 = tpu.memref_slice %arg6[%add3A_75, %dma_wait3A_82] : memref<200000x16xf32, #tpu.memory_space<hbm>> -> memref<200x16xf32, #tpu.memory_space<hbm>>
        tpu.wait_dma2 semaphore(%run_scoped3A : memref<!tpu.dma_semaphore, #tpu.memory_space<semaphore_mem>>) src(%arg13 : memref<200x16xf32, #tpu.memory_space<vmem>>) dst(%dma_wait3A_83 : memref<200x16xf32, #tpu.memory_space<hbm>>)
        tpu.yield
      }) : () -> ()
    }
    %scan3A_64 = arith.constant 31 : i32
    %add3A_65 = arith.constant 6200 : i32
    %add3A_66 = arith.addi %mul3A_10, %add3A_65 : i32
    "tpu.region"() ({
      %run_scoped3A = tpu.sem_alloc : memref<!tpu.dma_semaphore, #tpu.memory_space<semaphore_mem>>
      %dma_start3A_69 = arith.constant 0 : i32
      %dma_start3A_70 = arith.constant 0 : i32
      %dma_start3A_71 = tpu.memref_slice %arg13[%dma_start3A_69, %dma_start3A_70] : memref<200x16xf32, #tpu.memory_space<vmem>> -> memref<50x16xf32, #tpu.memory_space<vmem>>
      %dma_start3A_72 = arith.constant 0 : i32
      %dma_start3A_73 = tpu.memref_slice %arg14[%add3A_66, %dma_start3A_72] : memref<100000x16xf32, #tpu.memory_space<vmem_shared>> -> memref<50x16xf32, #tpu.memory_space<vmem_shared>>
      %dma_start3A_74 = arith.constant 0 : i32
      %dma_start3A_75 = arith.constant 0 : i32
      %dma_start3A_76 = tpu.memref_slice %arg13[%dma_start3A_74, %dma_start3A_75] : memref<200x16xf32, #tpu.memory_space<vmem>> -> memref<50x16xf32, #tpu.memory_space<vmem>>
      %dma_start3A_77 = arith.constant 0 : i32
      %dma_start3A_78 = tpu.memref_slice %arg14[%add3A_66, %dma_start3A_77] : memref<100000x16xf32, #tpu.memory_space<vmem_shared>> -> memref<50x16xf32, #tpu.memory_space<vmem_shared>>
      tpu.enqueue_dma source(%dma_start3A_78 : memref<50x16xf32, #tpu.memory_space<vmem_shared>>) target(%dma_start3A_76 : memref<50x16xf32, #tpu.memory_space<vmem>>) target_semaphore(%run_scoped3A : memref<!tpu.dma_semaphore, #tpu.memory_space<semaphore_mem>>)
      %dma_wait3A_79 = arith.constant 0 : i32
      %dma_wait3A_80 = arith.constant 0 : i32
      %dma_wait3A_81 = tpu.memref_slice %arg13[%dma_wait3A_79, %dma_wait3A_80] : memref<200x16xf32, #tpu.memory_space<vmem>> -> memref<50x16xf32, #tpu.memory_space<vmem>>
      %dma_wait3A_82 = arith.constant 0 : i32
      %dma_wait3A_83 = tpu.memref_slice %arg14[%add3A_66, %dma_wait3A_82] : memref<100000x16xf32, #tpu.memory_space<vmem_shared>> -> memref<50x16xf32, #tpu.memory_space<vmem_shared>>
      %dma_wait3A_84 = arith.constant 0 : i32
      %dma_wait3A_85 = arith.constant 0 : i32
      %dma_wait3A_86 = tpu.memref_slice %arg13[%dma_wait3A_84, %dma_wait3A_85] : memref<200x16xf32, #tpu.memory_space<vmem>> -> memref<50x16xf32, #tpu.memory_space<vmem>>
      %dma_wait3A_87 = arith.constant 0 : i32
      %dma_wait3A_88 = tpu.memref_slice %arg14[%add3A_66, %dma_wait3A_87] : memref<100000x16xf32, #tpu.memory_space<vmem_shared>> -> memref<50x16xf32, #tpu.memory_space<vmem_shared>>
      tpu.wait_dma2 semaphore(%run_scoped3A : memref<!tpu.dma_semaphore, #tpu.memory_space<semaphore_mem>>) src(%dma_wait3A_88 : memref<50x16xf32, #tpu.memory_space<vmem_shared>>) dst(%dma_wait3A_86 : memref<50x16xf32, #tpu.memory_space<vmem>>)
      tpu.yield
    }) : () -> ()
    %add3A_67 = arith.constant 6200 : i32
    %add3A_68 = arith.addi %add3A_58, %add3A_67 : i32
    "tpu.region"() ({
      %run_scoped3A = tpu.sem_alloc : memref<!tpu.dma_semaphore, #tpu.memory_space<semaphore_mem>>
      %dma_start3A_69 = arith.constant 0 : i32
      %dma_start3A_70 = arith.constant 0 : i32
      %dma_start3A_71 = tpu.memref_slice %arg13[%dma_start3A_69, %dma_start3A_70] : memref<200x16xf32, #tpu.memory_space<vmem>> -> memref<50x16xf32, #tpu.memory_space<vmem>>
      %dma_start3A_72 = arith.constant 0 : i32
      %dma_start3A_73 = tpu.memref_slice %arg6[%add3A_68, %dma_start3A_72] : memref<200000x16xf32, #tpu.memory_space<hbm>> -> memref<50x16xf32, #tpu.memory_space<hbm>>
      %dma_start3A_74 = arith.constant 0 : i32
      %dma_start3A_75 = tpu.memref_slice %arg6[%add3A_68, %dma_start3A_74] : memref<200000x16xf32, #tpu.memory_space<hbm>> -> memref<50x16xf32, #tpu.memory_space<hbm>>
      %dma_start3A_76 = arith.constant 0 : i32
      %dma_start3A_77 = arith.constant 0 : i32
      %dma_start3A_78 = tpu.memref_slice %arg13[%dma_start3A_76, %dma_start3A_77] : memref<200x16xf32, #tpu.memory_space<vmem>> -> memref<50x16xf32, #tpu.memory_space<vmem>>
      tpu.enqueue_dma source(%dma_start3A_78 : memref<50x16xf32, #tpu.memory_space<vmem>>) target(%dma_start3A_75 : memref<50x16xf32, #tpu.memory_space<hbm>>) target_semaphore(%run_scoped3A : memref<!tpu.dma_semaphore, #tpu.memory_space<semaphore_mem>>)
      %dma_wait3A_79 = arith.constant 0 : i32
      %dma_wait3A_80 = arith.constant 0 : i32
      %dma_wait3A_81 = tpu.memref_slice %arg13[%dma_wait3A_79, %dma_wait3A_80] : memref<200x16xf32, #tpu.memory_space<vmem>> -> memref<50x16xf32, #tpu.memory_space<vmem>>
      %dma_wait3A_82 = arith.constant 0 : i32
      %dma_wait3A_83 = tpu.memref_slice %arg6[%add3A_68, %dma_wait3A_82] : memref<200000x16xf32, #tpu.memory_space<hbm>> -> memref<50x16xf32, #tpu.memory_space<hbm>>
      %dma_wait3A_84 = arith.constant 0 : i32
      %dma_wait3A_85 = tpu.memref_slice %arg6[%add3A_68, %dma_wait3A_84] : memref<200000x16xf32, #tpu.memory_space<hbm>> -> memref<50x16xf32, #tpu.memory_space<hbm>>
      %dma_wait3A_86 = arith.constant 0 : i32
      %dma_wait3A_87 = arith.constant 0 : i32
      %dma_wait3A_88 = tpu.memref_slice %arg13[%dma_wait3A_86, %dma_wait3A_87] : memref<200x16xf32, #tpu.memory_space<vmem>> -> memref<50x16xf32, #tpu.memory_space<vmem>>
      tpu.wait_dma2 semaphore(%run_scoped3A : memref<!tpu.dma_semaphore, #tpu.memory_space<semaphore_mem>>) src(%dma_wait3A_88 : memref<50x16xf32, #tpu.memory_space<vmem>>) dst(%dma_wait3A_85 : memref<50x16xf32, #tpu.memory_space<hbm>>)
      tpu.yield
    }) : () -> ()
    return
  }
}

#map = affine_map<(d0, d1) -> (0)>
#map1 = affine_map<(d0, d1) -> (0, 0)>
module attributes {stable_mosaic.version = 14 : i64} {
  func.func @_sum_body(%arg0: i32, %arg1: i32, %arg2: memref<1600000xi32, #tpu.memory_space<hbm>>, %arg3: memref<1600000x32xf32, #tpu.memory_space<hbm>>, %arg4: memref<100000x32xf32, #tpu.memory_space<hbm>>, %arg5: memref<400xi32, #tpu.memory_space<vmem>>, %arg6: memref<400xi32, #tpu.memory_space<vmem>>, %arg7: memref<400x32xf32, #tpu.memory_space<vmem>>, %arg8: memref<400x32xf32, #tpu.memory_space<vmem>>, %arg9: memref<400xi32, #tpu.memory_space<vmem>>, %arg10: memref<51200x32xf32, #tpu.memory_space<vmem_shared>>, %arg11: memref<!tpu.dma_semaphore, #tpu.memory_space<semaphore_mem>>, %arg12: memref<!tpu.dma_semaphore, #tpu.memory_space<semaphore_mem>>, %arg13: memref<!tpu.dma_semaphore, #tpu.memory_space<semaphore_mem>>, %arg14: memref<!tpu.dma_semaphore, #tpu.memory_space<semaphore_mem>>) attributes {dimension_semantics = [#tpu.dimension_semantics<core_parallel>, #tpu.dimension_semantics<subcore_parallel>], iteration_bounds = array<i64: 2, 16>, scalar_prefetch = 0 : i64, scratch_operands = 10 : i64, tpu.core_type = #tpu.core_type<sc_vector_subcore>, window_params = [{transform_indices = #map}, {transform_indices = #map1}, {transform_indices = #map1}]} {
    %mul3A = arith.constant 50000 : i32
    %mul3A_0 = arith.muli %arg0, %mul3A : i32
    %broadcast_in_dim3A = arith.constant 0.000000e+00 : f32
    %broadcast_in_dim3A_1 = vector.broadcast %broadcast_in_dim3A : f32 to vector<16xf32>
    %scan3A = arith.constant 0 : i32
    %scan3A_2 = arith.constant 0 : i32
    %scan3A_3 = arith.constant 400 : i32
    %scan3A_4 = arith.addi %scan3A_2, %scan3A_3 : i32
    %scan3A_5 = arith.constant 1 : i32
    scf.for %scan3A_41 = %scan3A_2 to %scan3A_4 step %scan3A_5  : i32 {
      %swap3A = arith.index_cast %scan3A_41 : i32 to index
      %swap3A_42 = arith.constant 0 : index
      %swap3A_43 = tpu.vector_load %arg7[%swap3A, %swap3A_42] {strides = array<i32>} : memref<400x32xf32, #tpu.memory_space<vmem>>, vector<1x16xf32>,
      %swap3A_44 = vector.shape_cast %swap3A_43 : vector<1x16xf32> to vector<16xf32>
      %swap3A_45 = vector.shape_cast %broadcast_in_dim3A_1 : vector<16xf32> to vector<1x16xf32>
      tpu.vector_store %arg7[%swap3A, %swap3A_42], %swap3A_45 {strides = array<i32>} : memref<400x32xf32, #tpu.memory_space<vmem>>, vector<1x16xf32>,
      %swap3A_46 = arith.index_cast %scan3A_41 : i32 to index
      %swap3A_47 = arith.constant 16 : index
      %swap3A_48 = tpu.vector_load %arg7[%swap3A_46, %swap3A_47] {strides = array<i32>} : memref<400x32xf32, #tpu.memory_space<vmem>>, vector<1x16xf32>,
      %swap3A_49 = vector.shape_cast %swap3A_48 : vector<1x16xf32> to vector<16xf32>
      %swap3A_50 = vector.shape_cast %broadcast_in_dim3A_1 : vector<16xf32> to vector<1x16xf32>
      tpu.vector_store %arg7[%swap3A_46, %swap3A_47], %swap3A_50 {strides = array<i32>} : memref<400x32xf32, #tpu.memory_space<vmem>>, vector<1x16xf32>,
    }
    %scan3A_6 = arith.constant 400 : i32
    %mul3A_7 = arith.constant 3200 : i32
    %mul3A_8 = arith.muli %arg1, %mul3A_7 : i32
    %scan3A_9 = arith.constant 0 : i32
    %scan3A_10 = arith.constant 0 : i32
    %scan3A_11 = arith.constant 8 : i32
    %scan3A_12 = arith.addi %scan3A_10, %scan3A_11 : i32
    %scan3A_13 = arith.constant 1 : i32
    scf.for %scan3A_41 = %scan3A_10 to %scan3A_12 step %scan3A_13  : i32 {
      %mul3A_42 = arith.constant 400 : i32
      %mul3A_43 = arith.muli %scan3A_41, %mul3A_42 : i32
      %add3A_44 = arith.addi %mul3A_8, %mul3A_43 : i32
      "tpu.region"() ({
        %run_scoped3A = tpu.sem_alloc : memref<!tpu.dma_semaphore, #tpu.memory_space<semaphore_mem>>
        %dma_start3A_45 = arith.constant 0 : i32
        %dma_start3A_46 = tpu.memref_slice %arg10[%add3A_44, %dma_start3A_45] : memref<51200x32xf32, #tpu.memory_space<vmem_shared>> -> memref<400x32xf32, #tpu.memory_space<vmem_shared>>
        %dma_start3A_47 = arith.constant 0 : i32
        %dma_start3A_48 = tpu.memref_slice %arg10[%add3A_44, %dma_start3A_47] : memref<51200x32xf32, #tpu.memory_space<vmem_shared>> -> memref<400x32xf32, #tpu.memory_space<vmem_shared>>
        tpu.enqueue_dma source(%arg7 : memref<400x32xf32, #tpu.memory_space<vmem>>) target(%dma_start3A_48 : memref<400x32xf32, #tpu.memory_space<vmem_shared>>) target_semaphore(%run_scoped3A : memref<!tpu.dma_semaphore, #tpu.memory_space<semaphore_mem>>)
        %dma_wait3A = arith.constant 0 : i32
        %dma_wait3A_49 = tpu.memref_slice %arg10[%add3A_44, %dma_wait3A] : memref<51200x32xf32, #tpu.memory_space<vmem_shared>> -> memref<400x32xf32, #tpu.memory_space<vmem_shared>>
        %dma_wait3A_50 = arith.constant 0 : i32
        %dma_wait3A_51 = tpu.memref_slice %arg10[%add3A_44, %dma_wait3A_50] : memref<51200x32xf32, #tpu.memory_space<vmem_shared>> -> memref<400x32xf32, #tpu.memory_space<vmem_shared>>
        tpu.wait_dma2 semaphore(%run_scoped3A : memref<!tpu.dma_semaphore, #tpu.memory_space<semaphore_mem>>) src(%arg7 : memref<400x32xf32, #tpu.memory_space<vmem>>) dst(%dma_wait3A_51 : memref<400x32xf32, #tpu.memory_space<vmem_shared>>)
        tpu.yield
      }) : () -> ()
    }
    %scan3A_14 = arith.constant 8 : i32
    %barrier3A = arith.constant 0 : index
    tpu.barrier barrier_id(%barrier3A)
    %mul3A_15 = arith.constant 100000 : i32
    %mul3A_16 = arith.muli %arg1, %mul3A_15 : i32
    %add3A = arith.constant 0 : i32
    %add3A_17 = arith.addi %mul3A_16, %add3A : i32
    %dma_start3A = tpu.memref_slice %arg2[%add3A_17] : memref<1600000xi32, #tpu.memory_space<hbm>> -> memref<400xi32, #tpu.memory_space<hbm>>
    %dma_start3A_18 = tpu.memref_slice %arg2[%add3A_17] : memref<1600000xi32, #tpu.memory_space<hbm>> -> memref<400xi32, #tpu.memory_space<hbm>>
    tpu.enqueue_dma source(%dma_start3A_18 : memref<400xi32, #tpu.memory_space<hbm>>) target(%arg5 : memref<400xi32, #tpu.memory_space<vmem>>) target_semaphore(%arg11 : memref<!tpu.dma_semaphore, #tpu.memory_space<semaphore_mem>>)
    %dma_start3A_19 = arith.constant 0 : i32
    %dma_start3A_20 = tpu.memref_slice %arg3[%add3A_17, %dma_start3A_19] : memref<1600000x32xf32, #tpu.memory_space<hbm>> -> memref<400x32xf32, #tpu.memory_space<hbm>>
    %dma_start3A_21 = arith.constant 0 : i32
    %dma_start3A_22 = tpu.memref_slice %arg3[%add3A_17, %dma_start3A_21] : memref<1600000x32xf32, #tpu.memory_space<hbm>> -> memref<400x32xf32, #tpu.memory_space<hbm>>
    tpu.enqueue_dma source(%dma_start3A_22 : memref<400x32xf32, #tpu.memory_space<hbm>>) target(%arg7 : memref<400x32xf32, #tpu.memory_space<vmem>>) target_semaphore(%arg13 : memref<!tpu.dma_semaphore, #tpu.memory_space<semaphore_mem>>)
    %scan3A_23 = arith.constant 0 : i32
    %scan3A_24 = arith.constant 0 : i32
    %scan3A_25 = arith.constant 125 : i32
    %scan3A_26 = arith.addi %scan3A_24, %scan3A_25 : i32
    %scan3A_27 = arith.constant 1 : i32
    scf.for %scan3A_41 = %scan3A_24 to %scan3A_26 step %scan3A_27  : i32 {
      %mul3A_42 = arith.constant 2 : i32
      %mul3A_43 = arith.muli %scan3A_41, %mul3A_42 : i32
      %add3A_44 = arith.constant 0 : i32
      %add3A_45 = arith.addi %mul3A_43, %add3A_44 : i32
      %mul3A_46 = arith.constant 400 : i32
      %mul3A_47 = arith.muli %add3A_45, %mul3A_46 : i32
      %add3A_48 = arith.addi %mul3A_16, %mul3A_47 : i32
      %add3A_49 = arith.constant 1 : i32
      %add3A_50 = arith.addi %add3A_45, %add3A_49 : i32
      %lt3A = arith.constant 250 : i32
      %lt3A_51 = arith.cmpi slt, %add3A_50, %lt3A : i32
      %convert_element_type3A = arith.extui %lt3A_51 : i1 to i32
      %cond3A = arith.constant 0 : i32
      %cond3A_52 = arith.cmpi ne, %convert_element_type3A, %cond3A : i32
      scf.if %cond3A_52 {
        %add3A_90 = arith.constant 1 : i32
        %add3A_91 = arith.addi %add3A_45, %add3A_90 : i32
        %mul3A_92 = arith.constant 400 : i32
        %mul3A_93 = arith.muli %add3A_91, %mul3A_92 : i32
        %add3A_94 = arith.addi %mul3A_16, %mul3A_93 : i32
        %dma_start3A_95 = tpu.memref_slice %arg2[%add3A_94] : memref<1600000xi32, #tpu.memory_space<hbm>> -> memref<400xi32, #tpu.memory_space<hbm>>
        %dma_start3A_96 = tpu.memref_slice %arg2[%add3A_94] : memref<1600000xi32, #tpu.memory_space<hbm>> -> memref<400xi32, #tpu.memory_space<hbm>>
        tpu.enqueue_dma source(%dma_start3A_96 : memref<400xi32, #tpu.memory_space<hbm>>) target(%arg6 : memref<400xi32, #tpu.memory_space<vmem>>) target_semaphore(%arg12 : memref<!tpu.dma_semaphore, #tpu.memory_space<semaphore_mem>>)
        %dma_start3A_97 = arith.constant 0 : i32
        %dma_start3A_98 = tpu.memref_slice %arg3[%add3A_94, %dma_start3A_97] : memref<1600000x32xf32, #tpu.memory_space<hbm>> -> memref<400x32xf32, #tpu.memory_space<hbm>>
        %dma_start3A_99 = arith.constant 0 : i32
        %dma_start3A_100 = tpu.memref_slice %arg3[%add3A_94, %dma_start3A_99] : memref<1600000x32xf32, #tpu.memory_space<hbm>> -> memref<400x32xf32, #tpu.memory_space<hbm>>
        tpu.enqueue_dma source(%dma_start3A_100 : memref<400x32xf32, #tpu.memory_space<hbm>>) target(%arg8 : memref<400x32xf32, #tpu.memory_space<vmem>>) target_semaphore(%arg14 : memref<!tpu.dma_semaphore, #tpu.memory_space<semaphore_mem>>)
      } else {
      }
      %dma_wait3A = tpu.memref_slice %arg2[%add3A_48] : memref<1600000xi32, #tpu.memory_space<hbm>> -> memref<400xi32, #tpu.memory_space<hbm>>
      %dma_wait3A_53 = tpu.memref_slice %arg2[%add3A_48] : memref<1600000xi32, #tpu.memory_space<hbm>> -> memref<400xi32, #tpu.memory_space<hbm>>
      tpu.wait_dma2 semaphore(%arg11 : memref<!tpu.dma_semaphore, #tpu.memory_space<semaphore_mem>>) src(%dma_wait3A_53 : memref<400xi32, #tpu.memory_space<hbm>>) dst(%arg5 : memref<400xi32, #tpu.memory_space<vmem>>)
      %scan3A_54 = arith.constant 0 : i32
      %scan3A_55 = arith.constant 0 : i32
      %scan3A_56 = arith.constant 25 : i32
      %scan3A_57 = arith.addi %scan3A_55, %scan3A_56 : i32
      %scan3A_58 = arith.constant 1 : i32
      scf.for %scan3A_90 = %scan3A_55 to %scan3A_57 step %scan3A_58  : i32 {
        %mul3A_91 = arith.constant 16 : i32
        %mul3A_92 = arith.muli %scan3A_90, %mul3A_91 : i32
        %get3A = arith.index_cast %mul3A_92 : i32 to index
        %get3A_93 = tpu.vector_load %arg5[%get3A] {strides = array<i32>} : memref<400xi32, #tpu.memory_space<vmem>>, vector<16xi32>,
        %get3A_94 = vector.shape_cast %get3A_93 : vector<16xi32> to vector<16xi32>
        %ge3A = vector.broadcast %mul3A_0 : i32 to vector<16xi32>
        %ge3A_95 = arith.cmpi sge, %get3A_94, %ge3A : vector<16xi32>
        %add3A_96 = arith.constant 50000 : i32
        %add3A_97 = arith.addi %mul3A_0, %add3A_96 : i32
        %lt3A_98 = vector.broadcast %add3A_97 : i32 to vector<16xi32>
        %lt3A_99 = arith.cmpi slt, %get3A_94, %lt3A_98 : vector<16xi32>
        %and3A = arith.andi %ge3A_95, %lt3A_99 : vector<16xi1>
        %and3A_100 = arith.constant 1023 : i32
        %and3A_101 = vector.broadcast %and3A_100 : i32 to vector<16xi32>
        %and3A_102 = arith.andi %get3A_94, %and3A_101 : vector<16xi32>
        %add3A_103 = arith.constant 50000 : i32
        %add3A_104 = vector.broadcast %add3A_103 : i32 to vector<16xi32>
        %add3A_105 = arith.addi %add3A_104, %and3A_102 : vector<16xi32>
        %sub3A = vector.broadcast %mul3A_0 : i32 to vector<16xi32>
        %sub3A_106 = arith.subi %get3A_94, %sub3A : vector<16xi32>
        %select_n3A = arith.select %and3A, %sub3A_106, %add3A_105 : vector<16xi1>, vector<16xi32>
        %mul3A_107 = arith.constant 16 : i32
        %mul3A_108 = arith.muli %scan3A_90, %mul3A_107 : i32
        %swap3A = arith.index_cast %mul3A_108 : i32 to index
        %swap3A_109 = tpu.vector_load %arg9[%swap3A] {strides = array<i32>} : memref<400xi32, #tpu.memory_space<vmem>>, vector<16xi32>,
        %swap3A_110 = vector.shape_cast %swap3A_109 : vector<16xi32> to vector<16xi32>
        %swap3A_111 = vector.shape_cast %select_n3A : vector<16xi32> to vector<16xi32>
        tpu.vector_store %arg9[%swap3A], %swap3A_111 {strides = array<i32>} : memref<400xi32, #tpu.memory_space<vmem>>, vector<16xi32>,
      }
      %scan3A_59 = arith.constant 25 : i32
      %dma_wait3A_60 = arith.constant 0 : i32
      %dma_wait3A_61 = tpu.memref_slice %arg3[%add3A_48, %dma_wait3A_60] : memref<1600000x32xf32, #tpu.memory_space<hbm>> -> memref<400x32xf32, #tpu.memory_space<hbm>>
      %dma_wait3A_62 = arith.constant 0 : i32
      %dma_wait3A_63 = tpu.memref_slice %arg3[%add3A_48, %dma_wait3A_62] : memref<1600000x32xf32, #tpu.memory_space<hbm>> -> memref<400x32xf32, #tpu.memory_space<hbm>>
      tpu.wait_dma2 semaphore(%arg13 : memref<!tpu.dma_semaphore, #tpu.memory_space<semaphore_mem>>) src(%dma_wait3A_63 : memref<400x32xf32, #tpu.memory_space<hbm>>) dst(%arg7 : memref<400x32xf32, #tpu.memory_space<vmem>>)
      "tpu.region"() ({
        %run_scoped3A = tpu.sem_alloc : memref<!tpu.dma_semaphore, #tpu.memory_space<semaphore_mem>>
        %dma_start3A_90 = arith.constant 0 : i32
        %dma_start3A_91 = arith.constant 0 : i32
        %dma_start3A_92 = tpu.memref_slice %arg10[%dma_start3A_90, %dma_start3A_91] : memref<51200x32xf32, #tpu.memory_space<vmem_shared>> -> memref<51200x32xf32, #tpu.memory_space<vmem_shared>>
        tpu.enqueue_indirect_dma source(%arg7 : memref<400x32xf32, #tpu.memory_space<vmem>>) target(%dma_start3A_92 : memref<51200x32xf32, #tpu.memory_space<vmem_shared>>) offsets(%arg9 : memref<400xi32, #tpu.memory_space<vmem>>) semaphore(%run_scoped3A : memref<!tpu.dma_semaphore, #tpu.memory_space<semaphore_mem>>) {add = true}
        %dma_wait3A_93 = arith.constant 0 : i32
        %dma_wait3A_94 = arith.constant 0 : i32
        %dma_wait3A_95 = tpu.memref_slice %arg10[%dma_wait3A_93, %dma_wait3A_94] : memref<51200x32xf32, #tpu.memory_space<vmem_shared>> -> memref<51200x32xf32, #tpu.memory_space<vmem_shared>>
        tpu.wait_indirect_dma semaphore(%run_scoped3A : memref<!tpu.dma_semaphore, #tpu.memory_space<semaphore_mem>>) src(%arg7 : memref<400x32xf32, #tpu.memory_space<vmem>>) dst(%dma_wait3A_95 : memref<51200x32xf32, #tpu.memory_space<vmem_shared>>)
        tpu.yield
      }) : () -> ()
      %mul3A_64 = arith.constant 2 : i32
      %mul3A_65 = arith.muli %scan3A_41, %mul3A_64 : i32
      %add3A_66 = arith.constant 1 : i32
      %add3A_67 = arith.addi %mul3A_65, %add3A_66 : i32
      %mul3A_68 = arith.constant 400 : i32
      %mul3A_69 = arith.muli %add3A_67, %mul3A_68 : i32
      %add3A_70 = arith.addi %mul3A_16, %mul3A_69 : i32
      %add3A_71 = arith.constant 1 : i32
      %add3A_72 = arith.addi %add3A_67, %add3A_71 : i32
      %lt3A_73 = arith.constant 250 : i32
      %lt3A_74 = arith.cmpi slt, %add3A_72, %lt3A_73 : i32
      %convert_element_type3A_75 = arith.extui %lt3A_74 : i1 to i32
      %cond3A_76 = arith.constant 0 : i32
      %cond3A_77 = arith.cmpi ne, %convert_element_type3A_75, %cond3A_76 : i32
      scf.if %cond3A_77 {
        %add3A_90 = arith.constant 1 : i32
        %add3A_91 = arith.addi %add3A_67, %add3A_90 : i32
        %mul3A_92 = arith.constant 400 : i32
        %mul3A_93 = arith.muli %add3A_91, %mul3A_92 : i32
        %add3A_94 = arith.addi %mul3A_16, %mul3A_93 : i32
        %dma_start3A_95 = tpu.memref_slice %arg2[%add3A_94] : memref<1600000xi32, #tpu.memory_space<hbm>> -> memref<400xi32, #tpu.memory_space<hbm>>
        %dma_start3A_96 = tpu.memref_slice %arg2[%add3A_94] : memref<1600000xi32, #tpu.memory_space<hbm>> -> memref<400xi32, #tpu.memory_space<hbm>>
        tpu.enqueue_dma source(%dma_start3A_96 : memref<400xi32, #tpu.memory_space<hbm>>) target(%arg5 : memref<400xi32, #tpu.memory_space<vmem>>) target_semaphore(%arg11 : memref<!tpu.dma_semaphore, #tpu.memory_space<semaphore_mem>>)
        %dma_start3A_97 = arith.constant 0 : i32
        %dma_start3A_98 = tpu.memref_slice %arg3[%add3A_94, %dma_start3A_97] : memref<1600000x32xf32, #tpu.memory_space<hbm>> -> memref<400x32xf32, #tpu.memory_space<hbm>>
        %dma_start3A_99 = arith.constant 0 : i32
        %dma_start3A_100 = tpu.memref_slice %arg3[%add3A_94, %dma_start3A_99] : memref<1600000x32xf32, #tpu.memory_space<hbm>> -> memref<400x32xf32, #tpu.memory_space<hbm>>
        tpu.enqueue_dma source(%dma_start3A_100 : memref<400x32xf32, #tpu.memory_space<hbm>>) target(%arg7 : memref<400x32xf32, #tpu.memory_space<vmem>>) target_semaphore(%arg13 : memref<!tpu.dma_semaphore, #tpu.memory_space<semaphore_mem>>)
      } else {
      }
      %dma_wait3A_78 = tpu.memref_slice %arg2[%add3A_70] : memref<1600000xi32, #tpu.memory_space<hbm>> -> memref<400xi32, #tpu.memory_space<hbm>>
      %dma_wait3A_79 = tpu.memref_slice %arg2[%add3A_70] : memref<1600000xi32, #tpu.memory_space<hbm>> -> memref<400xi32, #tpu.memory_space<hbm>>
      tpu.wait_dma2 semaphore(%arg12 : memref<!tpu.dma_semaphore, #tpu.memory_space<semaphore_mem>>) src(%dma_wait3A_79 : memref<400xi32, #tpu.memory_space<hbm>>) dst(%arg6 : memref<400xi32, #tpu.memory_space<vmem>>)
      %scan3A_80 = arith.constant 0 : i32
      %scan3A_81 = arith.constant 0 : i32
      %scan3A_82 = arith.constant 25 : i32
      %scan3A_83 = arith.addi %scan3A_81, %scan3A_82 : i32
      %scan3A_84 = arith.constant 1 : i32
      scf.for %scan3A_90 = %scan3A_81 to %scan3A_83 step %scan3A_84  : i32 {
        %mul3A_91 = arith.constant 16 : i32
        %mul3A_92 = arith.muli %scan3A_90, %mul3A_91 : i32
        %get3A = arith.index_cast %mul3A_92 : i32 to index
        %get3A_93 = tpu.vector_load %arg6[%get3A] {strides = array<i32>} : memref<400xi32, #tpu.memory_space<vmem>>, vector<16xi32>,
        %get3A_94 = vector.shape_cast %get3A_93 : vector<16xi32> to vector<16xi32>
        %ge3A = vector.broadcast %mul3A_0 : i32 to vector<16xi32>
        %ge3A_95 = arith.cmpi sge, %get3A_94, %ge3A : vector<16xi32>
        %add3A_96 = arith.constant 50000 : i32
        %add3A_97 = arith.addi %mul3A_0, %add3A_96 : i32
        %lt3A_98 = vector.broadcast %add3A_97 : i32 to vector<16xi32>
        %lt3A_99 = arith.cmpi slt, %get3A_94, %lt3A_98 : vector<16xi32>
        %and3A = arith.andi %ge3A_95, %lt3A_99 : vector<16xi1>
        %and3A_100 = arith.constant 1023 : i32
        %and3A_101 = vector.broadcast %and3A_100 : i32 to vector<16xi32>
        %and3A_102 = arith.andi %get3A_94, %and3A_101 : vector<16xi32>
        %add3A_103 = arith.constant 50000 : i32
        %add3A_104 = vector.broadcast %add3A_103 : i32 to vector<16xi32>
        %add3A_105 = arith.addi %add3A_104, %and3A_102 : vector<16xi32>
        %sub3A = vector.broadcast %mul3A_0 : i32 to vector<16xi32>
        %sub3A_106 = arith.subi %get3A_94, %sub3A : vector<16xi32>
        %select_n3A = arith.select %and3A, %sub3A_106, %add3A_105 : vector<16xi1>, vector<16xi32>
        %mul3A_107 = arith.constant 16 : i32
        %mul3A_108 = arith.muli %scan3A_90, %mul3A_107 : i32
        %swap3A = arith.index_cast %mul3A_108 : i32 to index
        %swap3A_109 = tpu.vector_load %arg9[%swap3A] {strides = array<i32>} : memref<400xi32, #tpu.memory_space<vmem>>, vector<16xi32>,
        %swap3A_110 = vector.shape_cast %swap3A_109 : vector<16xi32> to vector<16xi32>
        %swap3A_111 = vector.shape_cast %select_n3A : vector<16xi32> to vector<16xi32>
        tpu.vector_store %arg9[%swap3A], %swap3A_111 {strides = array<i32>} : memref<400xi32, #tpu.memory_space<vmem>>, vector<16xi32>,
      }
      %scan3A_85 = arith.constant 25 : i32
      %dma_wait3A_86 = arith.constant 0 : i32
      %dma_wait3A_87 = tpu.memref_slice %arg3[%add3A_70, %dma_wait3A_86] : memref<1600000x32xf32, #tpu.memory_space<hbm>> -> memref<400x32xf32, #tpu.memory_space<hbm>>
      %dma_wait3A_88 = arith.constant 0 : i32
      %dma_wait3A_89 = tpu.memref_slice %arg3[%add3A_70, %dma_wait3A_88] : memref<1600000x32xf32, #tpu.memory_space<hbm>> -> memref<400x32xf32, #tpu.memory_space<hbm>>
      tpu.wait_dma2 semaphore(%arg14 : memref<!tpu.dma_semaphore, #tpu.memory_space<semaphore_mem>>) src(%dma_wait3A_89 : memref<400x32xf32, #tpu.memory_space<hbm>>) dst(%arg8 : memref<400x32xf32, #tpu.memory_space<vmem>>)
      "tpu.region"() ({
        %run_scoped3A = tpu.sem_alloc : memref<!tpu.dma_semaphore, #tpu.memory_space<semaphore_mem>>
        %dma_start3A_90 = arith.constant 0 : i32
        %dma_start3A_91 = arith.constant 0 : i32
        %dma_start3A_92 = tpu.memref_slice %arg10[%dma_start3A_90, %dma_start3A_91] : memref<51200x32xf32, #tpu.memory_space<vmem_shared>> -> memref<51200x32xf32, #tpu.memory_space<vmem_shared>>
        tpu.enqueue_indirect_dma source(%arg8 : memref<400x32xf32, #tpu.memory_space<vmem>>) target(%dma_start3A_92 : memref<51200x32xf32, #tpu.memory_space<vmem_shared>>) offsets(%arg9 : memref<400xi32, #tpu.memory_space<vmem>>) semaphore(%run_scoped3A : memref<!tpu.dma_semaphore, #tpu.memory_space<semaphore_mem>>) {add = true}
        %dma_wait3A_93 = arith.constant 0 : i32
        %dma_wait3A_94 = arith.constant 0 : i32
        %dma_wait3A_95 = tpu.memref_slice %arg10[%dma_wait3A_93, %dma_wait3A_94] : memref<51200x32xf32, #tpu.memory_space<vmem_shared>> -> memref<51200x32xf32, #tpu.memory_space<vmem_shared>>
        tpu.wait_indirect_dma semaphore(%run_scoped3A : memref<!tpu.dma_semaphore, #tpu.memory_space<semaphore_mem>>) src(%arg8 : memref<400x32xf32, #tpu.memory_space<vmem>>) dst(%dma_wait3A_95 : memref<51200x32xf32, #tpu.memory_space<vmem_shared>>)
        tpu.yield
      }) : () -> ()
    }
    %scan3A_28 = arith.constant 125 : i32
    %barrier3A_29 = arith.constant 0 : index
    tpu.barrier barrier_id(%barrier3A_29)
    %mul3A_30 = arith.constant 3125 : i32
    %mul3A_31 = arith.muli %arg1, %mul3A_30 : i32
    %mul3A_32 = arith.constant 50000 : i32
    %mul3A_33 = arith.muli %arg0, %mul3A_32 : i32
    %add3A_34 = arith.addi %mul3A_33, %mul3A_31 : i32
    %scan3A_35 = arith.constant 0 : i32
    %scan3A_36 = arith.constant 0 : i32
    %scan3A_37 = arith.constant 25 : i32
    %scan3A_38 = arith.addi %scan3A_36, %scan3A_37 : i32
    %scan3A_39 = arith.constant 1 : i32
    scf.for %scan3A_41 = %scan3A_36 to %scan3A_38 step %scan3A_39  : i32 {
      %mul3A_42 = arith.constant 125 : i32
      %mul3A_43 = arith.muli %scan3A_41, %mul3A_42 : i32
      %add3A_44 = arith.addi %mul3A_31, %mul3A_43 : i32
      "tpu.region"() ({
        %run_scoped3A = tpu.sem_alloc : memref<!tpu.dma_semaphore, #tpu.memory_space<semaphore_mem>>
        %dma_start3A_48 = arith.constant 0 : i32
        %dma_start3A_49 = arith.constant 0 : i32
        %dma_start3A_50 = tpu.memref_slice %arg7[%dma_start3A_48, %dma_start3A_49] : memref<400x32xf32, #tpu.memory_space<vmem>> -> memref<125x32xf32, #tpu.memory_space<vmem>>
        %dma_start3A_51 = arith.constant 0 : i32
        %dma_start3A_52 = tpu.memref_slice %arg10[%add3A_44, %dma_start3A_51] : memref<51200x32xf32, #tpu.memory_space<vmem_shared>> -> memref<125x32xf32, #tpu.memory_space<vmem_shared>>
        %dma_start3A_53 = arith.constant 0 : i32
        %dma_start3A_54 = arith.constant 0 : i32
        %dma_start3A_55 = tpu.memref_slice %arg7[%dma_start3A_53, %dma_start3A_54] : memref<400x32xf32, #tpu.memory_space<vmem>> -> memref<125x32xf32, #tpu.memory_space<vmem>>
        %dma_start3A_56 = arith.constant 0 : i32
        %dma_start3A_57 = tpu.memref_slice %arg10[%add3A_44, %dma_start3A_56] : memref<51200x32xf32, #tpu.memory_space<vmem_shared>> -> memref<125x32xf32, #tpu.memory_space<vmem_shared>>
        tpu.enqueue_dma source(%dma_start3A_57 : memref<125x32xf32, #tpu.memory_space<vmem_shared>>) target(%dma_start3A_55 : memref<125x32xf32, #tpu.memory_space<vmem>>) target_semaphore(%run_scoped3A : memref<!tpu.dma_semaphore, #tpu.memory_space<semaphore_mem>>)
        %dma_wait3A = arith.constant 0 : i32
        %dma_wait3A_58 = arith.constant 0 : i32
        %dma_wait3A_59 = tpu.memref_slice %arg7[%dma_wait3A, %dma_wait3A_58] : memref<400x32xf32, #tpu.memory_space<vmem>> -> memref<125x32xf32, #tpu.memory_space<vmem>>
        %dma_wait3A_60 = arith.constant 0 : i32
        %dma_wait3A_61 = tpu.memref_slice %arg10[%add3A_44, %dma_wait3A_60] : memref<51200x32xf32, #tpu.memory_space<vmem_shared>> -> memref<125x32xf32, #tpu.memory_space<vmem_shared>>
        %dma_wait3A_62 = arith.constant 0 : i32
        %dma_wait3A_63 = arith.constant 0 : i32
        %dma_wait3A_64 = tpu.memref_slice %arg7[%dma_wait3A_62, %dma_wait3A_63] : memref<400x32xf32, #tpu.memory_space<vmem>> -> memref<125x32xf32, #tpu.memory_space<vmem>>
        %dma_wait3A_65 = arith.constant 0 : i32
        %dma_wait3A_66 = tpu.memref_slice %arg10[%add3A_44, %dma_wait3A_65] : memref<51200x32xf32, #tpu.memory_space<vmem_shared>> -> memref<125x32xf32, #tpu.memory_space<vmem_shared>>
        tpu.wait_dma2 semaphore(%run_scoped3A : memref<!tpu.dma_semaphore, #tpu.memory_space<semaphore_mem>>) src(%dma_wait3A_66 : memref<125x32xf32, #tpu.memory_space<vmem_shared>>) dst(%dma_wait3A_64 : memref<125x32xf32, #tpu.memory_space<vmem>>)
        tpu.yield
      }) : () -> ()
      %mul3A_45 = arith.constant 125 : i32
      %mul3A_46 = arith.muli %scan3A_41, %mul3A_45 : i32
      %add3A_47 = arith.addi %add3A_34, %mul3A_46 : i32
      "tpu.region"() ({
        %run_scoped3A = tpu.sem_alloc : memref<!tpu.dma_semaphore, #tpu.memory_space<semaphore_mem>>
        %dma_start3A_48 = arith.constant 0 : i32
        %dma_start3A_49 = arith.constant 0 : i32
        %dma_start3A_50 = tpu.memref_slice %arg7[%dma_start3A_48, %dma_start3A_49] : memref<400x32xf32, #tpu.memory_space<vmem>> -> memref<125x32xf32, #tpu.memory_space<vmem>>
        %dma_start3A_51 = arith.constant 0 : i32
        %dma_start3A_52 = tpu.memref_slice %arg4[%add3A_47, %dma_start3A_51] : memref<100000x32xf32, #tpu.memory_space<hbm>> -> memref<125x32xf32, #tpu.memory_space<hbm>>
        %dma_start3A_53 = arith.constant 0 : i32
        %dma_start3A_54 = tpu.memref_slice %arg4[%add3A_47, %dma_start3A_53] : memref<100000x32xf32, #tpu.memory_space<hbm>> -> memref<125x32xf32, #tpu.memory_space<hbm>>
        %dma_start3A_55 = arith.constant 0 : i32
        %dma_start3A_56 = arith.constant 0 : i32
        %dma_start3A_57 = tpu.memref_slice %arg7[%dma_start3A_55, %dma_start3A_56] : memref<400x32xf32, #tpu.memory_space<vmem>> -> memref<125x32xf32, #tpu.memory_space<vmem>>
        tpu.enqueue_dma source(%dma_start3A_57 : memref<125x32xf32, #tpu.memory_space<vmem>>) target(%dma_start3A_54 : memref<125x32xf32, #tpu.memory_space<hbm>>) target_semaphore(%run_scoped3A : memref<!tpu.dma_semaphore, #tpu.memory_space<semaphore_mem>>)
        %dma_wait3A = arith.constant 0 : i32
        %dma_wait3A_58 = arith.constant 0 : i32
        %dma_wait3A_59 = tpu.memref_slice %arg7[%dma_wait3A, %dma_wait3A_58] : memref<400x32xf32, #tpu.memory_space<vmem>> -> memref<125x32xf32, #tpu.memory_space<vmem>>
        %dma_wait3A_60 = arith.constant 0 : i32
        %dma_wait3A_61 = tpu.memref_slice %arg4[%add3A_47, %dma_wait3A_60] : memref<100000x32xf32, #tpu.memory_space<hbm>> -> memref<125x32xf32, #tpu.memory_space<hbm>>
        %dma_wait3A_62 = arith.constant 0 : i32
        %dma_wait3A_63 = tpu.memref_slice %arg4[%add3A_47, %dma_wait3A_62] : memref<100000x32xf32, #tpu.memory_space<hbm>> -> memref<125x32xf32, #tpu.memory_space<hbm>>
        %dma_wait3A_64 = arith.constant 0 : i32
        %dma_wait3A_65 = arith.constant 0 : i32
        %dma_wait3A_66 = tpu.memref_slice %arg7[%dma_wait3A_64, %dma_wait3A_65] : memref<400x32xf32, #tpu.memory_space<vmem>> -> memref<125x32xf32, #tpu.memory_space<vmem>>
        tpu.wait_dma2 semaphore(%run_scoped3A : memref<!tpu.dma_semaphore, #tpu.memory_space<semaphore_mem>>) src(%dma_wait3A_66 : memref<125x32xf32, #tpu.memory_space<vmem>>) dst(%dma_wait3A_63 : memref<125x32xf32, #tpu.memory_space<hbm>>)
        tpu.yield
      }) : () -> ()
    }
    %scan3A_40 = arith.constant 25 : i32
    return
  }
}

module attributes {stable_mosaic.version = 14 : i64} {
  func.func @_edge_kernel(%arg0: i32, %arg1: memref<4000x128xf32, #tpu.memory_space<vmem>>, %arg2: memref<4000x64xf32, #tpu.memory_space<vmem>>, %arg3: memref<128x128xf32, #tpu.memory_space<vmem>>, %arg4: memref<128x128xf32, #tpu.memory_space<vmem>>, %arg5: memref<64x128xf32, #tpu.memory_space<vmem>>, %arg6: memref<64x128xf32, #tpu.memory_space<vmem>>, %arg7: memref<1x128xf32, #tpu.memory_space<vmem>>, %arg8: memref<1x128xf32, #tpu.memory_space<vmem>>, %arg9: memref<4000x128xf32, #tpu.memory_space<vmem>>, %arg10: memref<4000x128xf32, #tpu.memory_space<vmem>>) attributes {dimension_semantics = [#tpu.dimension_semantics<arbitrary>], iteration_bounds = array<i64: 100>, scalar_prefetch = 0 : i64, scratch_operands = 0 : i64, tpu.core_type = #tpu.core_type<tc>, window_params = [{transform_indices = @transform_0, window_bounds = array<i64: 4000, 128>}, {transform_indices = @transform_1, window_bounds = array<i64: 4000, 64>}, {pipeline_mode = #tpu.pipeline_mode<synchronous>, transform_indices = @transform_2, window_bounds = array<i64: 128, 128>}, {pipeline_mode = #tpu.pipeline_mode<synchronous>, transform_indices = @transform_3, window_bounds = array<i64: 128, 128>}, {pipeline_mode = #tpu.pipeline_mode<synchronous>, transform_indices = @transform_4, window_bounds = array<i64: 64, 128>}, {pipeline_mode = #tpu.pipeline_mode<synchronous>, transform_indices = @transform_5, window_bounds = array<i64: 64, 128>}, {pipeline_mode = #tpu.pipeline_mode<synchronous>, transform_indices = @transform_6, window_bounds = array<i64: 1, 128>}, {pipeline_mode = #tpu.pipeline_mode<synchronous>, transform_indices = @transform_7, window_bounds = array<i64: 1, 128>}, {transform_indices = @transform_8, window_bounds = array<i64: 4000, 128>}, {transform_indices = @transform_9, window_bounds = array<i64: 4000, 128>}]} {
    %get3A = arith.constant 0 : index
    %get3A_0 = arith.constant 0 : index
    %get3A_1 = vector.load %arg1[%get3A, %get3A_0] : memref<4000x128xf32, #tpu.memory_space<vmem>>, vector<4000x128xf32>
    %get3A_2 = arith.constant 0 : index
    %get3A_3 = arith.constant 0 : index
    %get3A_4 = vector.load %arg2[%get3A_2, %get3A_3] : memref<4000x64xf32, #tpu.memory_space<vmem>>, vector<4000x64xf32>
    %get3A_5 = arith.constant 0 : index
    %get3A_6 = arith.constant 0 : index
    %get3A_7 = vector.load %arg3[%get3A_5, %get3A_6] : memref<128x128xf32, #tpu.memory_space<vmem>>, vector<128x128xf32>
    %dot_general3A = arith.constant dense<0.000000e+00> : vector<4000x128xf32>
    %dot_general3A_8 = tpu.matmul %get3A_1, %get3A_7, %dot_general3A {dimension_numbers = #tpu.dot_dimension_numbers<[1], [0], [0], [1], [0, 0, 1, 1], [], []>, transpose_lhs_hint = false} : vector<4000x128xf32>, vector<128x128xf32>, vector<4000x128xf32> -> vector<4000x128xf32>
    %get3A_9 = arith.constant 0 : index
    %get3A_10 = arith.constant 0 : index
    %get3A_11 = vector.load %arg5[%get3A_9, %get3A_10] : memref<64x128xf32, #tpu.memory_space<vmem>>, vector<64x128xf32>
    %dot_general3A_12 = arith.constant dense<0.000000e+00> : vector<4000x128xf32>
    %dot_general3A_13 = tpu.matmul %get3A_4, %get3A_11, %dot_general3A_12 {dimension_numbers = #tpu.dot_dimension_numbers<[1], [0], [0], [1], [0, 0, 1, 1], [], []>, transpose_lhs_hint = false} : vector<4000x64xf32>, vector<64x128xf32>, vector<4000x128xf32> -> vector<4000x128xf32>
    %add3A = arith.addf %dot_general3A_8, %dot_general3A_13 : vector<4000x128xf32>
    %get3A_14 = arith.constant 0 : index
    %get3A_15 = arith.constant 0 : index
    %get3A_16 = vector.load %arg7[%get3A_14, %get3A_15] : memref<1x128xf32, #tpu.memory_space<vmem>>, vector<1x128xf32>
    %add3A_17 = vector.broadcast %get3A_16 : vector<1x128xf32> to vector<4000x128xf32>
    %add3A_18 = arith.addf %add3A, %add3A_17 : vector<4000x128xf32>
    %max3A = arith.constant 0.000000e+00 : f32
    %max3A_19 = vector.broadcast %max3A : f32 to vector<4000x128xf32>
    %max3A_20 = arith.maximumf %add3A_18, %max3A_19 : vector<4000x128xf32>
    %swap3A = arith.constant 0 : index
    %swap3A_21 = arith.constant 0 : index
    %swap3A_22 = vector.load %arg9[%swap3A, %swap3A_21] : memref<4000x128xf32, #tpu.memory_space<vmem>>, vector<4000x128xf32>
    tpu.vector_store %arg9[%swap3A, %swap3A_21], %max3A_20 {strides = array<i32>} : memref<4000x128xf32, #tpu.memory_space<vmem>>, vector<4000x128xf32>,
    %get3A_23 = arith.constant 0 : index
    %get3A_24 = arith.constant 0 : index
    %get3A_25 = vector.load %arg4[%get3A_23, %get3A_24] : memref<128x128xf32, #tpu.memory_space<vmem>>, vector<128x128xf32>
    %dot_general3A_26 = arith.constant dense<0.000000e+00> : vector<4000x128xf32>
    %dot_general3A_27 = tpu.matmul %get3A_1, %get3A_25, %dot_general3A_26 {dimension_numbers = #tpu.dot_dimension_numbers<[1], [0], [0], [1], [0, 0, 1, 1], [], []>, transpose_lhs_hint = false} : vector<4000x128xf32>, vector<128x128xf32>, vector<4000x128xf32> -> vector<4000x128xf32>
    %get3A_28 = arith.constant 0 : index
    %get3A_29 = arith.constant 0 : index
    %get3A_30 = vector.load %arg6[%get3A_28, %get3A_29] : memref<64x128xf32, #tpu.memory_space<vmem>>, vector<64x128xf32>
    %dot_general3A_31 = arith.constant dense<0.000000e+00> : vector<4000x128xf32>
    %dot_general3A_32 = tpu.matmul %get3A_4, %get3A_30, %dot_general3A_31 {dimension_numbers = #tpu.dot_dimension_numbers<[1], [0], [0], [1], [0, 0, 1, 1], [], []>, transpose_lhs_hint = false} : vector<4000x64xf32>, vector<64x128xf32>, vector<4000x128xf32> -> vector<4000x128xf32>
    %add3A_33 = arith.addf %dot_general3A_27, %dot_general3A_32 : vector<4000x128xf32>
    %get3A_34 = arith.constant 0 : index
    %get3A_35 = arith.constant 0 : index
    %get3A_36 = vector.load %arg8[%get3A_34, %get3A_35] : memref<1x128xf32, #tpu.memory_space<vmem>>, vector<1x128xf32>
    %add3A_37 = vector.broadcast %get3A_36 : vector<1x128xf32> to vector<4000x128xf32>
    %add3A_38 = arith.addf %add3A_33, %add3A_37 : vector<4000x128xf32>
    %max3A_39 = arith.constant 0.000000e+00 : f32
    %max3A_40 = vector.broadcast %max3A_39 : f32 to vector<4000x128xf32>
    %max3A_41 = arith.maximumf %add3A_38, %max3A_40 : vector<4000x128xf32>
    %swap3A_42 = arith.constant 0 : index
    %swap3A_43 = arith.constant 0 : index
    %swap3A_44 = vector.load %arg10[%swap3A_42, %swap3A_43] : memref<4000x128xf32, #tpu.memory_space<vmem>>, vector<4000x128xf32>
    tpu.vector_store %arg10[%swap3A_42, %swap3A_43], %max3A_41 {strides = array<i32>} : memref<4000x128xf32, #tpu.memory_space<vmem>>, vector<4000x128xf32>,
    return
  }
  func.func @transform_0(%arg0: i32) -> (i32, i32) {
    %c0_i32 = arith.constant 0 : i32
    %c0_i32_0 = arith.constant 0 : i32
    return %arg0, %c0_i32 : i32, i32
  }
  func.func @transform_1(%arg0: i32) -> (i32, i32) {
    %c0_i32 = arith.constant 0 : i32
    %c0_i32_0 = arith.constant 0 : i32
    return %arg0, %c0_i32 : i32, i32
  }
  func.func @transform_2(%arg0: i32) -> (i32, i32) {
    %c0_i32 = arith.constant 0 : i32
    %c0_i32_0 = arith.constant 0 : i32
    %c0_i32_1 = arith.constant 0 : i32
    return %c0_i32, %c0_i32_0 : i32, i32
  }
  func.func @transform_3(%arg0: i32) -> (i32, i32) {
    %c0_i32 = arith.constant 0 : i32
    %c0_i32_0 = arith.constant 0 : i32
    %c0_i32_1 = arith.constant 0 : i32
    return %c0_i32, %c0_i32_0 : i32, i32
  }
  func.func @transform_4(%arg0: i32) -> (i32, i32) {
    %c0_i32 = arith.constant 0 : i32
    %c0_i32_0 = arith.constant 0 : i32
    %c0_i32_1 = arith.constant 0 : i32
    return %c0_i32, %c0_i32_0 : i32, i32
  }
  func.func @transform_5(%arg0: i32) -> (i32, i32) {
    %c0_i32 = arith.constant 0 : i32
    %c0_i32_0 = arith.constant 0 : i32
    %c0_i32_1 = arith.constant 0 : i32
    return %c0_i32, %c0_i32_0 : i32, i32
  }
  func.func @transform_6(%arg0: i32) -> (i32, i32) {
    %c0_i32 = arith.constant 0 : i32
    %c0_i32_0 = arith.constant 0 : i32
    %c0_i32_1 = arith.constant 0 : i32
    return %c0_i32, %c0_i32_0 : i32, i32
  }
  func.func @transform_7(%arg0: i32) -> (i32, i32) {
    %c0_i32 = arith.constant 0 : i32
    %c0_i32_0 = arith.constant 0 : i32
    %c0_i32_1 = arith.constant 0 : i32
    return %c0_i32, %c0_i32_0 : i32, i32
  }
  func.func @transform_8(%arg0: i32) -> (i32, i32) {
    %c0_i32 = arith.constant 0 : i32
    %c0_i32_0 = arith.constant 0 : i32
    return %arg0, %c0_i32 : i32, i32
  }
  func.func @transform_9(%arg0: i32) -> (i32, i32) {
    %c0_i32 = arith.constant 0 : i32
    %c0_i32_0 = arith.constant 0 : i32
    return %arg0, %c0_i32 : i32, i32
  }
}

module attributes {stable_mosaic.version = 14 : i64} {
  func.func @_node_kernel(%arg0: i32, %arg1: memref<2000x32xf32, #tpu.memory_space<vmem>>, %arg2: memref<2000x32xf32, #tpu.memory_space<vmem>>, %arg3: memref<2000x32xf32, #tpu.memory_space<vmem>>, %arg4: memref<2000x16xf32, #tpu.memory_space<vmem>>, %arg5: memref<2000x16xf32, #tpu.memory_space<vmem>>, %arg6: memref<64x64xf32, #tpu.memory_space<vmem>>, %arg7: memref<1x64xf32, #tpu.memory_space<vmem>>, %arg8: memref<32x64xf32, #tpu.memory_space<vmem>>, %arg9: memref<64x64xf32, #tpu.memory_space<vmem>>, %arg10: memref<1x64xf32, #tpu.memory_space<vmem>>, %arg11: memref<64x64xf32, #tpu.memory_space<vmem>>, %arg12: memref<1x64xf32, #tpu.memory_space<vmem>>, %arg13: memref<2000x64xf32, #tpu.memory_space<vmem>>) attributes {dimension_semantics = [#tpu.dimension_semantics<arbitrary>], iteration_bounds = array<i64: 50>, scalar_prefetch = 0 : i64, scratch_operands = 0 : i64, tpu.core_type = #tpu.core_type<tc>, window_params = [{transform_indices = @transform_0, window_bounds = array<i64: 2000, 32>}, {transform_indices = @transform_1, window_bounds = array<i64: 2000, 32>}, {transform_indices = @transform_2, window_bounds = array<i64: 2000, 32>}, {transform_indices = @transform_3, window_bounds = array<i64: 2000, 16>}, {transform_indices = @transform_4, window_bounds = array<i64: 2000, 16>}, {pipeline_mode = #tpu.pipeline_mode<synchronous>, transform_indices = @transform_5, window_bounds = array<i64: 64, 64>}, {pipeline_mode = #tpu.pipeline_mode<synchronous>, transform_indices = @transform_6, window_bounds = array<i64: 1, 64>}, {pipeline_mode = #tpu.pipeline_mode<synchronous>, transform_indices = @transform_7, window_bounds = array<i64: 32, 64>}, {pipeline_mode = #tpu.pipeline_mode<synchronous>, transform_indices = @transform_8, window_bounds = array<i64: 64, 64>}, {pipeline_mode = #tpu.pipeline_mode<synchronous>, transform_indices = @transform_9, window_bounds = array<i64: 1, 64>}, {pipeline_mode = #tpu.pipeline_mode<synchronous>, transform_indices = @transform_10, window_bounds = array<i64: 64, 64>}, {pipeline_mode = #tpu.pipeline_mode<synchronous>, transform_indices = @transform_11, window_bounds = array<i64: 1, 64>}, {transform_indices = @transform_12, window_bounds = array<i64: 2000, 64>}]} {
    %get3A = arith.constant 0 : index
    %get3A_0 = arith.constant 0 : index
    %get3A_1 = vector.load %arg4[%get3A, %get3A_0] : memref<2000x16xf32, #tpu.memory_space<vmem>>, vector<2000x1xf32>
    %get3A_2 = arith.constant 0 : index
    %get3A_3 = arith.constant 0 : index
    %get3A_4 = vector.load %arg5[%get3A_2, %get3A_3] : memref<2000x16xf32, #tpu.memory_space<vmem>>, vector<2000x1xf32>
    %add3A = arith.addf %get3A_1, %get3A_4 : vector<2000x1xf32>
    %get3A_5 = arith.constant 0 : index
    %get3A_6 = arith.constant 0 : index
    %get3A_7 = vector.load %arg2[%get3A_5, %get3A_6] : memref<2000x32xf32, #tpu.memory_space<vmem>>, vector<2000x32xf32>
    %get3A_8 = arith.constant 0 : index
    %get3A_9 = arith.constant 0 : index
    %get3A_10 = vector.load %arg3[%get3A_8, %get3A_9] : memref<2000x32xf32, #tpu.memory_space<vmem>>, vector<2000x32xf32>
    %concatenate3A = tpu.concatenate %get3A_7, %get3A_10 in 1 : vector<2000x32xf32>, vector<2000x32xf32> -> vector<2000x64xf32>
    %max3A = arith.constant 1.000000e+00 : f32
    %max3A_11 = vector.broadcast %max3A : f32 to vector<2000x1xf32>
    %max3A_12 = arith.maximumf %add3A, %max3A_11 : vector<2000x1xf32>
    %div3A = vector.broadcast %max3A_12 : vector<2000x1xf32> to vector<2000x64xf32>
    %div3A_13 = arith.divf %concatenate3A, %div3A : vector<2000x64xf32>
    %get3A_14 = arith.constant 0 : index
    %get3A_15 = arith.constant 0 : index
    %get3A_16 = vector.load %arg6[%get3A_14, %get3A_15] : memref<64x64xf32, #tpu.memory_space<vmem>>, vector<64x64xf32>
    %dot_general3A = arith.constant dense<0.000000e+00> : vector<2000x64xf32>
    %dot_general3A_17 = tpu.matmul %div3A_13, %get3A_16, %dot_general3A {dimension_numbers = #tpu.dot_dimension_numbers<[1], [0], [0], [1], [0, 0, 1, 1], [], []>, transpose_lhs_hint = false} : vector<2000x64xf32>, vector<64x64xf32>, vector<2000x64xf32> -> vector<2000x64xf32>
    %get3A_18 = arith.constant 0 : index
    %get3A_19 = arith.constant 0 : index
    %get3A_20 = vector.load %arg7[%get3A_18, %get3A_19] : memref<1x64xf32, #tpu.memory_space<vmem>>, vector<1x64xf32>
    %add3A_21 = vector.broadcast %get3A_20 : vector<1x64xf32> to vector<2000x64xf32>
    %add3A_22 = arith.addf %dot_general3A_17, %add3A_21 : vector<2000x64xf32>
    %gt3A = arith.constant 0.000000e+00 : f32
    %gt3A_23 = vector.broadcast %gt3A : f32 to vector<2000x1xf32>
    %gt3A_24 = arith.cmpf ogt, %add3A, %gt3A_23 : vector<2000x1xf32>
    %jit3A = arith.constant 0.000000e+00 : f32
    %broadcast_in_dim3A = vector.shape_cast %gt3A_24 : vector<2000x1xi1> to vector<2000x1xi1>
    %broadcast_in_dim3A_25 = vector.broadcast %broadcast_in_dim3A : vector<2000x1xi1> to vector<2000x64xi1>
    %broadcast_in_dim3A_26 = vector.broadcast %jit3A : f32 to vector<2000x64xf32>
    %select_n3A = arith.select %broadcast_in_dim3A_25, %add3A_22, %broadcast_in_dim3A_26 : vector<2000x64xi1>, vector<2000x64xf32>
    %get3A_27 = arith.constant 0 : index
    %get3A_28 = arith.constant 0 : index
    %get3A_29 = vector.load %arg1[%get3A_27, %get3A_28] : memref<2000x32xf32, #tpu.memory_space<vmem>>, vector<2000x32xf32>
    %get3A_30 = arith.constant 0 : index
    %get3A_31 = arith.constant 0 : index
    %get3A_32 = vector.load %arg8[%get3A_30, %get3A_31] : memref<32x64xf32, #tpu.memory_space<vmem>>, vector<32x64xf32>
    %dot_general3A_33 = arith.constant dense<0.000000e+00> : vector<2000x64xf32>
    %dot_general3A_34 = tpu.matmul %get3A_29, %get3A_32, %dot_general3A_33 {dimension_numbers = #tpu.dot_dimension_numbers<[1], [0], [0], [1], [0, 0, 1, 1], [], []>, transpose_lhs_hint = false} : vector<2000x32xf32>, vector<32x64xf32>, vector<2000x64xf32> -> vector<2000x64xf32>
    %get3A_35 = arith.constant 0 : index
    %get3A_36 = arith.constant 0 : index
    %get3A_37 = vector.load %arg9[%get3A_35, %get3A_36] : memref<64x64xf32, #tpu.memory_space<vmem>>, vector<64x64xf32>
    %dot_general3A_38 = arith.constant dense<0.000000e+00> : vector<2000x64xf32>
    %dot_general3A_39 = tpu.matmul %select_n3A, %get3A_37, %dot_general3A_38 {dimension_numbers = #tpu.dot_dimension_numbers<[1], [0], [0], [1], [0, 0, 1, 1], [], []>, transpose_lhs_hint = false} : vector<2000x64xf32>, vector<64x64xf32>, vector<2000x64xf32> -> vector<2000x64xf32>
    %add3A_40 = arith.addf %dot_general3A_34, %dot_general3A_39 : vector<2000x64xf32>
    %get3A_41 = arith.constant 0 : index
    %get3A_42 = arith.constant 0 : index
    %get3A_43 = vector.load %arg10[%get3A_41, %get3A_42] : memref<1x64xf32, #tpu.memory_space<vmem>>, vector<1x64xf32>
    %add3A_44 = vector.broadcast %get3A_43 : vector<1x64xf32> to vector<2000x64xf32>
    %add3A_45 = arith.addf %add3A_40, %add3A_44 : vector<2000x64xf32>
    %max3A_46 = arith.constant 0.000000e+00 : f32
    %max3A_47 = vector.broadcast %max3A_46 : f32 to vector<2000x64xf32>
    %max3A_48 = arith.maximumf %add3A_45, %max3A_47 : vector<2000x64xf32>
    %get3A_49 = arith.constant 0 : index
    %get3A_50 = arith.constant 0 : index
    %get3A_51 = vector.load %arg11[%get3A_49, %get3A_50] : memref<64x64xf32, #tpu.memory_space<vmem>>, vector<64x64xf32>
    %dot_general3A_52 = arith.constant dense<0.000000e+00> : vector<2000x64xf32>
    %dot_general3A_53 = tpu.matmul %max3A_48, %get3A_51, %dot_general3A_52 {dimension_numbers = #tpu.dot_dimension_numbers<[1], [0], [0], [1], [0, 0, 1, 1], [], []>, transpose_lhs_hint = false} : vector<2000x64xf32>, vector<64x64xf32>, vector<2000x64xf32> -> vector<2000x64xf32>
    %get3A_54 = arith.constant 0 : index
    %get3A_55 = arith.constant 0 : index
    %get3A_56 = vector.load %arg12[%get3A_54, %get3A_55] : memref<1x64xf32, #tpu.memory_space<vmem>>, vector<1x64xf32>
    %add3A_57 = vector.broadcast %get3A_56 : vector<1x64xf32> to vector<2000x64xf32>
    %add3A_58 = arith.addf %dot_general3A_53, %add3A_57 : vector<2000x64xf32>
    %swap3A = arith.constant 0 : index
    %swap3A_59 = arith.constant 0 : index
    %swap3A_60 = vector.load %arg13[%swap3A, %swap3A_59] : memref<2000x64xf32, #tpu.memory_space<vmem>>, vector<2000x64xf32>
    tpu.vector_store %arg13[%swap3A, %swap3A_59], %add3A_58 {strides = array<i32>} : memref<2000x64xf32, #tpu.memory_space<vmem>>, vector<2000x64xf32>,
    return
  }
  func.func @transform_0(%arg0: i32) -> (i32, i32) {
    %c0_i32 = arith.constant 0 : i32
    %c0_i32_0 = arith.constant 0 : i32
    return %arg0, %c0_i32 : i32, i32
  }
  func.func @transform_1(%arg0: i32) -> (i32, i32) {
    %c0_i32 = arith.constant 0 : i32
    %c0_i32_0 = arith.constant 0 : i32
    return %arg0, %c0_i32 : i32, i32
  }
  func.func @transform_2(%arg0: i32) -> (i32, i32) {
    %c0_i32 = arith.constant 0 : i32
    %c0_i32_0 = arith.constant 0 : i32
    return %arg0, %c0_i32 : i32, i32
  }
  func.func @transform_3(%arg0: i32) -> (i32, i32) {
    %c0_i32 = arith.constant 0 : i32
    %c0_i32_0 = arith.constant 0 : i32
    return %arg0, %c0_i32 : i32, i32
  }
  func.func @transform_4(%arg0: i32) -> (i32, i32) {
    %add3A = arith.constant 50 : i32
    %add3A_0 = arith.addi %add3A, %arg0 : i32
    %c0_i32 = arith.constant 0 : i32
    %c0_i32_1 = arith.constant 0 : i32
    return %add3A_0, %c0_i32 : i32, i32
  }
  func.func @transform_5(%arg0: i32) -> (i32, i32) {
    %c0_i32 = arith.constant 0 : i32
    %c0_i32_0 = arith.constant 0 : i32
    %c0_i32_1 = arith.constant 0 : i32
    return %c0_i32, %c0_i32_0 : i32, i32
  }
  func.func @transform_6(%arg0: i32) -> (i32, i32) {
    %c0_i32 = arith.constant 0 : i32
    %c0_i32_0 = arith.constant 0 : i32
    %c0_i32_1 = arith.constant 0 : i32
    return %c0_i32, %c0_i32_0 : i32, i32
  }
  func.func @transform_7(%arg0: i32) -> (i32, i32) {
    %c0_i32 = arith.constant 0 : i32
    %c0_i32_0 = arith.constant 0 : i32
    %c0_i32_1 = arith.constant 0 : i32
    return %c0_i32, %c0_i32_0 : i32, i32
  }
  func.func @transform_8(%arg0: i32) -> (i32, i32) {
    %c0_i32 = arith.constant 0 : i32
    %c0_i32_0 = arith.constant 0 : i32
    %c0_i32_1 = arith.constant 0 : i32
    return %c0_i32, %c0_i32_0 : i32, i32
  }
  func.func @transform_9(%arg0: i32) -> (i32, i32) {
    %c0_i32 = arith.constant 0 : i32
    %c0_i32_0 = arith.constant 0 : i32
    %c0_i32_1 = arith.constant 0 : i32
    return %c0_i32, %c0_i32_0 : i32, i32
  }
  func.func @transform_10(%arg0: i32) -> (i32, i32) {
    %c0_i32 = arith.constant 0 : i32
    %c0_i32_0 = arith.constant 0 : i32
    %c0_i32_1 = arith.constant 0 : i32
    return %c0_i32, %c0_i32_0 : i32, i32
  }
  func.func @transform_11(%arg0: i32) -> (i32, i32) {
    %c0_i32 = arith.constant 0 : i32
    %c0_i32_0 = arith.constant 0 : i32
    %c0_i32_1 = arith.constant 0 : i32
    return %c0_i32, %c0_i32_0 : i32, i32
  }
  func.func @transform_12(%arg0: i32) -> (i32, i32) {
    %c0_i32 = arith.constant 0 : i32
    %c0_i32_0 = arith.constant 0 : i32
    return %arg0, %c0_i32 : i32, i32
  }
}

</mosaic_0001>

<sc_bundles>
// kernel: kernel.10.cloned.1.call-start
scs
__scs_entry_jumppad:
0x0: {  	(pc) =	sbr.rel $0x88, $3  }
0x1: {  	(tag) =	ssettag $0x0;
	lr =	simm.s32 $0x1  }
0x2: {  	[smem:$0x3F96] =	sst lr;
	_ =	strace $0xD0000000  }
0x3: {  	_ = 	snop  }
0x4: {  	_ = 	snop  }
0x5: {  	_ = 	snop  }
0x6: {  	_ = 	snop  }
0x7: {  	_ = 	snop  }
__scs_overlays_trampoline_lowered:
0x8: {  	[smem:$0x3FA5] =	sst s0  }
0x9: {  	[smem:$0x3FA6] =	sst s1  }
0xa: {  	[smem:$0x3FA7] =	sst s2  }
0xb: {  	[smem:$0x3FA8] =	sst s3  }
0xc: {  	[smem:$0x3FA9] =	sst s4  }
0xd: {  	[smem:$0x3FAA] =	sst s5  }
0xe: {  	[smem:$0x3FAB] =	sst s6  }
0xf: {  	[smem:$0x3FAC] =	sst s7  }
0x10: {  	[smem:$0x3FAD] =	sst s8  }
0x11: {  	[smem:$0x3FAE] =	sst s9;
	s0 =	simm.s32 @!p0 $0x0  }
0x12: {  	s1 =	sld [smem:$0x3F94];
	s0 =	simm.s32 @p0 $0x1  }
0x13: {  	[smem:$0x3FAF] =	sst s0;
	s0 =	simm.s32 @!p1 $0x0  }
0x14: {  	s2 =	sld [smem:$0x3F93];
	s0 =	simm.s32 @p1 $0x1  }
0x15: {  	[smem:$0x3FB0] =	sst s0;
	s0 =	simm.s32 @!p2 $0x0  }
0x16: {  	s3 =	sld [smem:$0x3FDB];
	s0 =	simm.s32 @p2 $0x1  }
0x17: {  	s4 =	simm.s32 $0x1BF5;
	[smem:$0x3FB2] =	sst s0  }
0x18: {  	s0 =	sld [smem:$0x3F95];
	_ =	swait.ge [sflag:s4], $0x0  }
0x19: {  	s7 =	sld [smem:$0x3F96]  }
0x1a: {  	s8 =	sadd.s32 $0xFFFFE003, lr  }
0x1b: {  	s9 =	sadd.s32 $0xFFFFFEF7, lr;
	s5 =	simm.s32 $0xFFFFFFFF;
	p2 =	slt.u32 s8, $0xFFFFF086  }
0x1c: {  	p1 =	slt.u32 s9, $0xF7A;
	s5 =	simm.s32 @!p2 $0x0  }
0x1d: {  	s5 =	simm.s32 @p1 $0x1;
	p0 =	seq.s32 s7, s2  }
0x1e: {  	s7 =	smul.u32 @!p0 $0xF7A, s2;
	p2 =	seq.s32 @!p0 s5, $0x0  }
0x1f: {  	s9 =	smul.u32 $0xF7A, s1;
	s8 =	simm.s32 @!p0 $0x1BF5;
	p2 =	por !p2, p0  }
0x20: {  	[sflag:s8] =	ssyncset.s32 @!p0 $0xFFFFF086;
	s6 =	sadd.s32 @!p0 s3, s7;
	s7 =	simm.s32 @!p0 $0x108  }
0x21: {  	s3 =	sadd.s32 s3, s9;
	s6 =	sadd.s32 @!p0 $0x88, s6;
	s7 =	simm.s32 @p2 $0x1082  }
0x22: {  	[simem:s7], [sflag:s8] =	dma.local @!p0 [hbm:s6], $0xF7A  }
0x23: {  	s9 =	sor.u32 $0xD0000000, s2;
	s6 =	simm.s32 $0x108;
	_ =	swait.ge @!p0 [sflag:s8], $0x0  }
0x24: {  	s3 =	sadd.s32 $0x88, s3;
	s6 =	simm.s32 @!p1 $0x1082;
	[sflag:s4] =	ssyncset.s32 $0xFFFFF086  }
0x25: {  	[simem:s6], [sflag:s4] =	dma.local [hbm:s3], $0xF7A  }
0x26: {  	[smem:$0x3F96] =	sst s1;
	(tag) =	ssettag s2;
	_ =	strace s9  }
0x27: {  	s1 =	sld [smem:$0x3FA6]  }
0x28: {  	s2 =	sld [smem:$0x3FA7]  }
0x29: {  	s4 =	sld [smem:$0x3FA9]  }
0x2a: {  	p0 =	seq.s32 s5, $0x0;
	s5 =	sld [smem:$0x3FAA]  }
0x2b: {  	s6 =	sld [smem:$0x3FAB]  }
0x2c: {  	s7 =	sld [smem:$0x3FAC]  }
0x2d: {  	s3 =	simm.s32 $0x108;
	s8 =	sld [smem:$0x3FAD]  }
0x2e: {  	s3 =	simm.s32 @!p0 $0x1082;
	s9 =	sld [smem:$0x3FAE]  }
0x2f: {  	lr =	sadd.s32 s0, s3;
	s0 =	sld [smem:$0x3FA5]  }
0x30: {  	s3 =	sld [smem:$0x3FA8]  }
0x31: {  	[smem:$0x3FB1] =	sst s10  }
0x32: {  	s10 =	sld [smem:$0x3FAF];
	_ =	sdelay $0x3  }
0x33: {  	p0 =	seq.s32 s10, $0x1;
	s10 =	sld [smem:$0x3FB1];
	_ =	sdelay $0x3  }
0x34: {  	[smem:$0x3FB1] =	sst s10  }
0x35: {  	s10 =	sld [smem:$0x3FB0];
	_ =	sdelay $0x3  }
0x36: {  	p1 =	seq.s32 s10, $0x1;
	s10 =	sld [smem:$0x3FB1];
	_ =	sdelay $0x3  }
0x37: {  	[smem:$0x3FB1] =	sst s10  }
0x38: {  	s10 =	sld [smem:$0x3FB2]  }
0x39: {  	_ = 	snop;
	(pc) =	sbr.ind lr, $3  }
0x3a: {  	_ = 	snop  }
0x3b: {  	_ = 	snop  }
0x3c: {  	p2 =	seq.s32 s10, $0x1;
	s10 =	sld [smem:$0x3FB1]  }
0x3d: {  	_ =	shalt  }
0x3e: {  	_ =	shalt  }
0x3f: {  	_ =	shalt  }
0x40: {  	_ =	shalt  }
0x41: {  	_ =	shalt  }
0x42: {  	_ =	shalt  }
0x43: {  	_ =	shalt  }
0x44: {  	_ =	shalt  }
0x45: {  	_ =	shalt  }
0x46: {  	_ =	shalt  }
0x47: {  	_ =	shalt  }
0x48: {  	_ =	shalt  }
0x49: {  	_ =	shalt  }
0x4a: {  	_ =	shalt  }
0x4b: {  	_ =	shalt  }
0x4c: {  	_ =	shalt  }
0x4d: {  	_ =	shalt  }
0x4e: {  	_ =	shalt  }
0x4f: {  	_ =	shalt  }
0x50: {  	_ =	shalt  }
0x51: {  	_ =	shalt  }
0x52: {  	_ =	shalt  }
0x53: {  	_ =	shalt  }
0x54: {  	_ =	shalt  }
0x55: {  	_ =	shalt  }
0x56: {  	_ =	shalt  }
0x57: {  	_ =	shalt  }
0x58: {  	_ =	shalt  }
0x59: {  	_ =	shalt  }
0x5a: {  	_ =	shalt  }
0x5b: {  	_ =	shalt  }
0x5c: {  	_ =	shalt  }
0x5d: {  	_ =	shalt  }
0x5e: {  	_ =	shalt  }
0x5f: {  	_ =	shalt  }
0x60: {  	_ =	shalt  }
0x61: {  	_ =	shalt  }
0x62: {  	_ =	shalt  }
0x63: {  	_ =	shalt  }
0x64: {  	_ =	shalt  }
0x65: {  	_ =	shalt  }
0x66: {  	_ =	shalt  }
0x67: {  	_ =	shalt  }
0x68: {  	_ =	shalt  }
0x69: {  	_ =	shalt  }
0x6a: {  	_ =	shalt  }
0x6b: {  	_ =	shalt  }
0x6c: {  	_ =	shalt  }
0x6d: {  	_ =	shalt  }
0x6e: {  	_ =	shalt  }
0x6f: {  	_ =	shalt  }
0x70: {  	_ =	shalt  }
0x71: {  	_ =	shalt  }
0x72: {  	_ =	shalt  }
0x73: {  	_ =	shalt  }
0x74: {  	_ =	shalt  }
0x75: {  	_ =	shalt  }
0x76: {  	_ =	shalt  }
0x77: {  	_ =	shalt  }
0x78: {  	_ =	shalt  }
0x79: {  	_ =	shalt  }
0x7a: {  	_ =	shalt  }
0x7b: {  	_ =	shalt  }
0x7c: {  	_ =	shalt  }
0x7d: {  	_ =	shalt  }
0x7e: {  	_ =	shalt  }
0x7f: {  	_ =	shalt  }
0x80: {  	_ =	shalt  }
0x81: {  	_ =	shalt  }
0x82: {  	_ =	shalt  }
0x83: {  	_ =	shalt  }
0x84: {  	_ =	shalt  }
0x85: {  	_ =	shalt  }
0x86: {  	_ =	shalt  }
0x87: {  	_ =	shalt  }
.Lfunc_end0:
.L_simem_size_0:
called_computation.1_lowered:
.L_overlay_start_0:
0x88: {  	s2 =	sld [smem:$0x3FD9]  }
0x89: {  	s3 =	sld [smem:$0x3FFE];
	_ =	sdelay $0x1  }
0x8a: {  	s1 =	srdreg.scid  }
0x8b: {  	s0 =	sand.u32 $0x1, s1  }
0x8c: {  	s16 =	sshll.u32 s0, $0xA;
	s2 =	sadd.s32 s3, s2  }
0x8d: {  	s2 =	sadd.s32 s2, s16  }
0x8e: {  	[smem:$0x3FBD] =	sst s2  }
0x8f: {  	_ = 	snop  }
0x90: {  	(tm) =	ssettm $0x1  }
0x91: {  	s17 =	sld [smem:$0x3FFB];
	_ =	sdelay $0x3  }
0x92: {  	_ =	strace s17  }
0x93: {  	s2 =	sld [smem:$0x3FFC];
	_ =	sdelay $0x3  }
0x94: {  	_ =	strace s2  }
0x95: {  	s2 =	sld [smem:$0x3FFD];
	_ =	sdelay $0x3  }
0x96: {  	_ =	strace s2  }
0x97: {  	_ =	strace $0x8FFFFFFF  }
0x98: {  	s18 =	sld [smem:$0x3FDB];
	_ =	sdelay $0x1  }
0x99: {  	s19 =	simm.s32 $_scs_section_size  }
0x9a: {  	s4 =	simm.s32 $_size__tile_overlayer_lowered;
	s5 =	simm.s32 $_tile_overlayer_lowered  }
0x9b: {  	s22 =	simm.s32 $0x1BFF;
	s21 =	sshll.u32 s5, $0x1;
	s2 =	sadd.s32 s19, s18  }
0x9c: {  	s6 =	simm.s32 $0x0;
	s20 =	sshll.u32 s4, $0x1;
	s4 =	sadd.s32 s21, s2  }
0x9d: {  	[timem:s6], [sflag:s22] =	dma.local [hbm:s4], s20  }
0x9e: {  	_ =	swait.ge [sflag:s22], s20  }
0x9f: {  	s3 =	ssub.s32 $0x0, s20;
	[sflag:s22] =	ssyncset.done $0x0  }
0xa0: {  	[sflag:s22] =	ssyncadd.s32 s3;
	_ =	sdelay $0x1  }
0xa1: {  	s23 =	simm.s32 $0x1B8B  }
0xa2: {  	_ =	swait.ge [sflag:s23], $0x1  }
0xa3: {  	[sflag:s23] =	ssyncset.done $0x0  }
0xa4: {  	s25 =	simm.s32 $0x1B8E;
	s24 =	sld [smem:$0x3FFE];
	[sflag:s23] =	ssyncadd.s32 $0xFFFFFFFF  }
0xa5: {  	s26 =	simm.s32 $execute0_lowered;
	[smem:$0x3FD2] =	sst s25  }
0xa6: {  	s4 =	sshll.u32 s26, $0x1;
	_ =	strace $0x80000049;
	[dreg:$0x1] =	wrdreg $0xFFFFFFFF  }
0xa7: {  	s28 =	simm.s32 $_size_execute0_lowered;
	s2 =	sadd.s32 s2, s4;
	[dreg:$0x0] =	wrdreg $0x0  }
0xa8: {  	s4 =	sshll.u32 s28, $0x1;
	[dreg:$0x2] =	wrdreg s2  }
0xa9: {  	[dreg:$0x3] =	wrdreg s4  }
0xaa: {  	[dreg:$0x4] =	wrdreg $0xC0  }
0xab: {  	_ =	task [dreg:s6], $0x5FFFF  }
0xac: {  	[dreg:$0x1] =	wrdreg $0xFFFFFFFF  }
0xad: {  	[dreg:$0x0] =	wrdreg $0x60  }
0xae: {  	[dreg:$0x2] =	wrdreg s24  }
0xaf: {  	[dreg:$0x3] =	wrdreg $0x68B00  }
0xb0: {  	[dreg:$0x4] =	wrdreg $0x9  }
0xb1: {  	_ =	task.clear_ibuf [dreg:s6], $0x5FFFF;
	_ =	strace $0x90000049  }
0xb2: {  	s29 =	simm.s32 $0x9;
	_ =	strace $0x8000004B  }
0xb3: {  	_ =	swait.ge [sflag:s29], $0x1  }
0xb4: {  	[sflag:s29] =	ssyncadd.s32 $0xFFFFFFFF  }
0xb5: {  	_ =	strace $0x9000004B  }
0xb6: {  	_ =	sfence  }
0xb7: {  	s30 =	sld [smem:$0x0];
	_ =	sdelay $0x2  }
0xb8: {  	s31 =	sshll.u32 s1, $0xD;
	s1 =	sshrl.u32 s1, $0x2  }
0xb9: {  	s3 =	sand.u32 $0x4000, s31;
	s1 =	sadd.s32 s1, s30  }
0xba: {  	s0 =	sor.u32 s3, s0;
	s1 =	sshll.u32 s1, $0x11  }
0xbb: {  	s0 =	sor.u32 s1, s0  }
0xbc: {  	s0 =	sadd.s32 $0x8F2B, s0  }
0xbd: {  	[sflag:s0] =	ssyncadd.remote.s32 $0x1  }
0xbe: {  	_ =	sfence.sel $0xFFFF  }
0xbf: {  	[dreg:$0x0] =	wrdreg $0xFFFFFFFF;
	(pc) =	sbr.abs _section_cstart, $3  }
0xc0: {  	[dreg:$0x1] =	wrdreg $0xFFFFFFFF  }
0xc1: {  	_ =	task.clear_ibuf [dreg:s6], $0x2FFFF;
	_ =	strace $0x9FFFFFFF  }
0xc2: {  	(tm) =	ssettm $0x7FFFFFFF  }
0xc3: {  	_ =	shalt  }
tec
execute0_lowered:
.L_overlay_start_1:
0x0: {  	(tag) =	ssettag $0x1  }
0x1: {  	s0 =	rddreg [dreg:$0x0]  }
0x2: {  	s1 =	rddreg [dreg:$0x1];
	s12 =	stileid.u32  }
0x3: {  	s2 =	simm.s32 $0x0;
	s3 =	srdreg.scid;
	s7 =	smul.u32 $0x186A0, s12  }
0x4: {  	s28 =	simm.s32 $0x6720;
	s30 =	simm.s32 $0x4;
	s11 =	smul.u32 $0x61A80, s12  }
0x5: {  	s31 =	simm.s32 $0x0;
	[smem:$0x7FF] =	sst s2;
	s9 =	smul.u32 $0x64000, s12  }
0x6: {  	s3 =	sand.u32 $0x1, s3;
	s4 =	sadd.s32 $0x1BA000, s0;
	s25 =	smul.u32 $0x30D4, s12  }
0x7: {  	s5 =	sadd.s32 $0x867200, s0;
	s6 =	smul.u32 $0x30D40, s3;
	s8 =	ssub.s32 $0x2, s3  }
0x8: {  	_ =	strace $0x8000004A;
	s3 =	smul.u32 $0xC350, s3;
	s21 =	sshrl.u32 s8, $0x1  }
0x9: {  	s22 =	sshrl.u32 s7, $0x3;
	s23 =	sadd.s32 s5, s11;
	s9 =	sshrl.u32 s9, $0x2  }
0xa: {  	s10 =	sadd.s32 $0x320, s7;
	s26 =	sshrl.u32 s11, $0x2;
	s0 =	sadd.s32 s6, s0  }
0xb: {  	s6 =	ssub.s32 s8, s21;
	s8 =	sadd.s32 s4, s22;
	[dreg:$0x4] =	wrdreg s23  }
0xc: {  	s29 =	sadd.s32 $0xC350, s3;
	s9 =	sadd.s32 s9, s1;
	s20 =	sadd.s32 s26, s1  }
0xd: {  	s21 =	simm.s32 $0x320;
	s22 =	simm.s32 $0x5;
	s23 =	simm.s32 $0x190  }
0xe: {  	s26 =	simm.s32 $0x3;
	[dreg:$0x3] =	wrdreg s8;
	s8 =	sadd.s32 $0x190, s7  }
0xf: {  	s6 =	smax.u32 s6, $0x1;
	s24 =	sadd.s32 $0x3200, s9;
	s13 =	sadd.s32 $0x6400, s9  }
0x10: {  	s14 =	sadd.s32 $0x9600, s9;
	s15 =	sadd.s32 $0xC800, s9;
	s16 =	sadd.s32 $0xFA00, s9  }
0x11: {  	s17 =	sadd.s32 $0x12C00, s9;
	s18 =	sadd.s32 $0x15E00, s9;
	s0 =	sadd.s32 s25, s0  }
0x12: {  	s25 =	simm.s32 $0x1;
	v1 =	vmov s29;
	s29 =	simm.s32 $0x2;
	[dreg:$0x5] =	wrdreg s6  }
0x13: {  	v2 =	vimm.f32 $0.0e+00;
	v0 =	vmov s3;
	[dreg:$0x6] =	wrdreg s24;
	s19 =	sadd.s32 $0x1EAE00, s0;
	s24 =	simm.s32 $0x3520  }
.LBB2_1:
0x14: {  	s0 =	simm.s32 $0x80;
	s3 =	simm.s32 $0x0  }
.LBB2_2:
0x15: {  	p0 =	sne.s32 s0, $0xC780;
	[tilespmem:s3+$0x320] =	vst v2;
	s6 =	smov.u32 s0;
	s0 =	sadd.s32 $0x80, s0  }
.Ltmp0:
0x16: {  	[tilespmem:s3+$0x330] =	vst v2;
	(pc) =	sbr.rel @p0 .LBB2_2-.Ltmp0, $2  }
0x17: {  	_ =	sdelay $0x2  }
0x18: {  	s3 =	sshra.s32 s6, $0x2  }
0x19: {  	[tilespmem:s3+$0x320] =	vst v2  }
0x1a: {  	[tilespmem:s3+$0x330] =	vst v2  }
0x1b: {  	[spmem:s9] =	stream.linear.scatter [tilespmem:s21], [sflag:$0x5], $0x3200, $0x38;
	[tilespmem:$0x1F8B0] =	vst v63  }
0x1c: {  	_ =	swait.ge [sflag:s22], $0x3200  }
0x1d: {  	[sflag:s22] =	ssyncset.done $0x0  }
0x1e: {  	s0 =	rddreg [dreg:$0x6];
	[sflag:s22] =	ssyncadd.s32 $0xFFFFCE00  }
0x1f: {  	[spmem:s0] =	stream.linear.scatter [tilespmem:s21], [sflag:$0x5], $0x3200, $0x38;
	[tilespmem:$0x1F8B0] =	vst v63  }
0x20: {  	_ =	swait.ge [sflag:s22], $0x3200  }
0x21: {  	[sflag:s22] =	ssyncset.done $0x0  }
0x22: {  	[sflag:s22] =	ssyncadd.s32 $0xFFFFCE00  }
0x23: {  	[spmem:s13] =	stream.linear.scatter [tilespmem:s21], [sflag:$0x5], $0x3200, $0x38;
	[tilespmem:$0x1F8B0] =	vst v63  }
0x24: {  	_ =	swait.ge [sflag:s22], $0x3200  }
0x25: {  	[sflag:s22] =	ssyncset.done $0x0  }
0x26: {  	[sflag:s22] =	ssyncadd.s32 $0xFFFFCE00  }
0x27: {  	[spmem:s14] =	stream.linear.scatter [tilespmem:s21], [sflag:$0x5], $0x3200, $0x38;
	[tilespmem:$0x1F8B0] =	vst v63  }
0x28: {  	_ =	swait.ge [sflag:s22], $0x3200  }
0x29: {  	[sflag:s22] =	ssyncset.done $0x0  }
0x2a: {  	[sflag:s22] =	ssyncadd.s32 $0xFFFFCE00  }
0x2b: {  	[spmem:s15] =	stream.linear.scatter [tilespmem:s21], [sflag:$0x5], $0x3200, $0x38;
	[tilespmem:$0x1F8B0] =	vst v63  }
0x2c: {  	_ =	swait.ge [sflag:s22], $0x3200  }
0x2d: {  	[sflag:s22] =	ssyncset.done $0x0  }
0x2e: {  	[sflag:s22] =	ssyncadd.s32 $0xFFFFCE00  }
0x2f: {  	[spmem:s16] =	stream.linear.scatter [tilespmem:s21], [sflag:$0x5], $0x3200, $0x38;
	[tilespmem:$0x1F8B0] =	vst v63  }
0x30: {  	_ =	swait.ge [sflag:s22], $0x3200  }
0x31: {  	[sflag:s22] =	ssyncset.done $0x0  }
0x32: {  	[sflag:s22] =	ssyncadd.s32 $0xFFFFCE00  }
0x33: {  	[spmem:s17] =	stream.linear.scatter [tilespmem:s21], [sflag:$0x5], $0x3200, $0x38;
	[tilespmem:$0x1F8B0] =	vst v63  }
0x34: {  	_ =	swait.ge [sflag:s22], $0x3200  }
0x35: {  	[sflag:s22] =	ssyncset.done $0x0  }
0x36: {  	[sflag:s22] =	ssyncadd.s32 $0xFFFFCE00  }
0x37: {  	[spmem:s18] =	stream.linear.scatter [tilespmem:s21], [sflag:$0x5], $0x3200, $0x38;
	[tilespmem:$0x1F8B0] =	vst v63  }
0x38: {  	_ =	swait.ge [sflag:s22], $0x3200  }
0x39: {  	[sflag:s22] =	ssyncset.done $0x0  }
0x3a: {  	[sflag:s22] =	ssyncadd.s32 $0xFFFFCE00  }
0x3b: {  	[bflag:$0x0] =	sbarrier.arrive $0xFFFF  }
0x3c: {  	s0 =	simm.s32 $0x0;
	s11 =	rddreg [dreg:$0x3]  }
0x3d: {  	[tilespmem:s0], [sflag:$0x1] =	stream.linear.gather [hbm4b:s11+s0], $0x190, $0x38;
	[tilespmem:$0x1F8B0] =	vst v63  }
0x3e: {  	s3 =	simm.s32 $0x0;
	s12 =	rddreg [dreg:$0x4]  }
0x3f: {  	[tilespmem:s21], [sflag:$0x3] =	stream.linear.gather [hbm4b:s12+s0], $0x3200, $0x38;
	[tilespmem:$0x1F8B0] =	vst v63  }
.LBB2_4:
0x40: {  	s6 =	smul.u32 $0x320, s3;
	_ =	sdelay $0x1  }
0x41: {  	s7 =	sadd.s32 s6, s8  }
0x42: {  	s11 =	sshrl.u32 s7, $0x3  }
0x43: {  	s7 =	sshll.u32 s7, $0x2;
	s11 =	sadd.s32 s4, s11  }
0x44: {  	[tilespmem:s23], [sflag:$0x2] =	stream.linear.gather [hbm4b:s11+s0], $0x190, $0x38;
	[tilespmem:$0x1F8B0] =	vst v63  }
0x45: {  	s7 =	sadd.s32 s5, s7  }
0x46: {  	[tilespmem:s24], [sflag:$0x4] =	stream.linear.gather [hbm4b:s7+s0], $0x3200, $0x38;
	[tilespmem:$0x1F8B0] =	vst v63  }
0x47: {  	_ =	swait.ge [sflag:s25], $0x190  }
0x48: {  	[sflag:s25] =	ssyncset.done $0x0  }
0x49: {  	s7 =	simm.s32 $0x0;
	[sflag:s25] =	ssyncadd.s32 $0xFFFFFE70  }
0x4a: {  	s11 =	simm.s32 $0x40;
	v3 =	vld [tilespmem:s7+$0x0]  }
.LBB2_5:
0x4b: {  	_ =	sdelay $0x1  }
0x4c: {  	p0 =	sne.s32 s11, $0x600  }
.Ltmp1:
0x4d: {  	_ = 	snop;
	(pc) =	sbr.rel @p0 .LBB2_5-.Ltmp1, $4  }
0x4e: {  	vm0 =	vge.s32 v3, v0;
	vm1 =	vlt.s32 v3, v1;
	v4 =	vand.u32 $0x3FF, v3  }
0x4f: {  	v5 =	vsub.s32 v3, v0;
	vm0 =	vmand vm0, vm1;
	v4 =	vadd.s32 $0xC350, v4  }
0x50: {  	s12 =	sshra.s32 s11, $0x2;
	v4 =	vsel vm0, v5, v4  }
0x51: {  	s11 =	sadd.s32 $0x40, s11;
	v3 =	vld [tilespmem:s12+$0x0];
	[tilespmem:s7+$0x6720] =	vst v4;
	s7 =	smov.u32 s12  }
0x52: {  	_ =	sdelay $0x3  }
0x53: {  	vm0 =	vge.s32 v3, v0;
	vm1 =	vlt.s32 v3, v1;
	v4 =	vand.u32 $0x3FF, v3  }
0x54: {  	v3 =	vsub.s32 v3, v0;
	vm0 =	vmand vm0, vm1;
	v4 =	vadd.s32 $0xC350, v4  }
0x55: {  	v3 =	vsel vm0, v3, v4  }
0x56: {  	[tilespmem:s7+$0x6720] =	vst v3  }
0x57: {  	_ =	swait.ge [sflag:s26], $0x3200  }
0x58: {  	[sflag:s26] =	ssyncset.done $0x0  }
0x59: {  	p0 =	seq.s32 s3, $0x7C;
	[sflag:s26] =	ssyncadd.s32 $0xFFFFCE00  }
0x5a: {  	[spmem:s1] =	stream.indirect.scatter.add.f32 [tilespmem:s21], [sflag:$0x5], $0x20, s28, s23, $0xb8;
	[tilespmem:$0x1F8B0] =	vst v63  }
0x5b: {  	s6 =	sadd.s32 @!p0 s6, s10;
	_ =	swait.ge [sflag:s22], $0x3200  }
0x5c: {  	s11 =	simm.s32 @!p0 $0x0;
	s7 =	sshrl.u32 @!p0 s6, $0x3;
	[sflag:s22] =	ssyncset.done $0x0  }
0x5d: {  	s6 =	sshll.u32 @!p0 s6, $0x2;
	s7 =	sadd.s32 @!p0 s4, s7;
	[sflag:s22] =	ssyncadd.s32 $0xFFFFCE00  }
0x5e: {  	[tilespmem:s11], [sflag:$0x1] =	stream.linear.gather @!p0 [hbm4b:s7+s11], $0x190, $0x38;
	[tilespmem:$0x1F8B0] =	vst v63  }
0x5f: {  	s6 =	sadd.s32 @!p0 s5, s6;
	s7 =	simm.s32 @!p0 $0x320  }
0x60: {  	[tilespmem:s7], [sflag:$0x3] =	stream.linear.gather @!p0 [hbm4b:s6+s11], $0x3200, $0x38;
	[tilespmem:$0x1F8B0] =	vst v63  }
0x61: {  	_ =	swait.ge [sflag:s29], $0x190  }
0x62: {  	[sflag:s29] =	ssyncset.done $0x0  }
0x63: {  	s6 =	simm.s32 $0x0;
	[sflag:s29] =	ssyncadd.s32 $0xFFFFFE70  }
0x64: {  	s7 =	simm.s32 $0x40;
	v3 =	vld [tilespmem:s6+$0x190]  }
.LBB2_7:
0x65: {  	_ =	sdelay $0x1  }
0x66: {  	p0 =	sne.s32 s7, $0x600  }
.Ltmp2:
0x67: {  	_ = 	snop;
	(pc) =	sbr.rel @p0 .LBB2_7-.Ltmp2, $4  }
0x68: {  	vm0 =	vge.s32 v3, v0;
	vm1 =	vlt.s32 v3, v1;
	v4 =	vand.u32 $0x3FF, v3  }
0x69: {  	v5 =	vsub.s32 v3, v0;
	vm0 =	vmand vm0, vm1;
	v4 =	vadd.s32 $0xC350, v4  }
0x6a: {  	s11 =	sshra.s32 s7, $0x2;
	v4 =	vsel vm0, v5, v4  }
0x6b: {  	s7 =	sadd.s32 $0x40, s7;
	v3 =	vld [tilespmem:s11+$0x190];
	[tilespmem:s6+$0x6720] =	vst v4;
	s6 =	smov.u32 s11  }
0x6c: {  	_ =	sdelay $0x3  }
0x6d: {  	vm0 =	vge.s32 v3, v0;
	vm1 =	vlt.s32 v3, v1;
	v4 =	vand.u32 $0x3FF, v3  }
0x6e: {  	v3 =	vsub.s32 v3, v0;
	vm0 =	vmand vm0, vm1;
	v4 =	vadd.s32 $0xC350, v4  }
0x6f: {  	v3 =	vsel vm0, v3, v4  }
0x70: {  	[tilespmem:s6+$0x6720] =	vst v3  }
0x71: {  	s3 =	sadd.s32 $0x1, s3;
	_ =	swait.ge [sflag:s30], $0x3200  }
0x72: {  	p0 =	sne.s32 s3, $0x7D;
	[sflag:s30] =	ssyncset.done $0x0  }
.Ltmp3:
0x73: {  	[sflag:s30] =	ssyncadd.s32 $0xFFFFCE00;
	(pc) =	sbr.rel @p0 .LBB2_4-.Ltmp3, $4  }
0x74: {  	[spmem:s1] =	stream.indirect.scatter.add.f32 [tilespmem:s24], [sflag:$0x5], $0x20, s28, s23, $0xb8;
	[tilespmem:$0x1F8B0] =	vst v63  }
0x75: {  	_ =	swait.ge [sflag:s22], $0x3200  }
0x76: {  	[sflag:s22] =	ssyncset.done $0x0  }
0x77: {  	[sflag:s22] =	ssyncadd.s32 $0xFFFFCE00  }
0x78: {  	[bflag:$0x0] =	sbarrier.arrive $0xFFFF  }
0x79: {  	[tilespmem:s21], [sflag:$0x5] =	stream.linear.gather [spmem:s20], $0xFA0, $0x38;
	[tilespmem:$0x1F8B0] =	vst v63  }
0x7a: {  	_ =	swait.ge [sflag:s22], $0xFA0  }
0x7b: {  	[sflag:s22] =	ssyncset.done $0x0  }
0x7c: {  	s0 =	sadd.s32 $0x0, s19;
	[sflag:s22] =	ssyncadd.s32 $0xFFFFF060  }
0x7d: {  	[hbm4b:s0+s2] =	stream.linear.scatter [tilespmem:s21], [sflag:$0x5], $0xFA0, $0x38;
	[tilespmem:$0x1F8B0] =	vst v63  }
0x7e: {  	_ =	swait.ge [sflag:s22], $0xFA0  }
0x7f: {  	s3 =	smov.u32 s20;
	s0 =	simm.s32 $0x1F4;
	[sflag:s22] =	ssyncset.done $0x0  }
.LBB2_10:
0x80: {  	p0 =	sne.s32 s0, $0x2EE0;
	[sflag:s22] =	ssyncadd.s32 $0xFFFFF060;
	s3 =	sadd.s32 $0xFA0, s3  }
0x81: {  	[tilespmem:s21], [sflag:$0x5] =	stream.linear.gather [spmem:s3], $0xFA0, $0x38;
	[tilespmem:$0x1F8B0] =	vst v63  }
0x82: {  	s6 =	smov.u32 s0;
	s0 =	sadd.s32 $0x1F4, s0;
	_ =	swait.ge [sflag:s22], $0xFA0  }
.Ltmp4:
0x83: {  	[sflag:s22] =	ssyncset.done $0x0;
	(pc) =	sbr.rel @p0 .LBB2_10-.Ltmp4, $4  }
0x84: {  	s6 =	sadd.s32 s6, s19;
	[sflag:s22] =	ssyncadd.s32 $0xFFFFF060  }
0x85: {  	[hbm4b:s6+s2] =	stream.linear.scatter [tilespmem:s21], [sflag:$0x5], $0xFA0, $0x38;
	[tilespmem:$0x1F8B0] =	vst v63  }
0x86: {  	_ =	swait.ge [sflag:s22], $0xFA0  }
0x87: {  	[sflag:s22] =	ssyncset.done $0x0  }
0x88: {  	s31 =	sadd.s32 $0x1, s31;
	s0 =	rddreg [dreg:$0x5]  }
0x89: {  	p0 =	sne.s32 s31, s0  }
.Ltmp5:
0x8a: {  	_ = 	snop;
	(pc) =	sbr.rel @p0 .LBB2_1-.Ltmp5, $2  }
0x8b: {  	_ =	sdelay $0x2  }
0x8c: {  	[sflag:s22] =	ssyncadd.s32 $0xFFFFF060  }
0x8d: {  	_ =	sfence.sel $0x180000  }
0x8e: {  	[bflag:$0x0] =	sbarrier.arrive $0xFFFF  }
0x8f: {  	_ =	strace $0x9000004A  }
0x90: {  	s0 =	stileid.u32;
	[bflag:$0x2] =	sbarrier.arrive $0xFFFF  }
0x91: {  	p0 =	sne.s32 s0, $0x0;
	s0 =	rddreg [dreg:$0x2]  }
0x92: {  	s0 =	sadd.s32 @!p0 $0x100000, s0  }
0x93: {  	[sflag:s0] =	ssyncadd.tile.s32 @!p0 $0x1;
	_ =	shalt  }
.Lfunc_end2:
_tile_overlayer_lowered:
.L_overlay_start_2:
0x94: {  	(tag) =	ssettag $0x2  }
0x95: {  	s0 =	rddreg [dreg:$0x0];
	s2 =	stileid.u32  }
0x96: {  	s1 =	rddreg [dreg:$0x1];
	p0 =	sne.s32 s2, $0x0  }
0x97: {  	s3 =	rddreg [dreg:$0x2];
	[bflag:$0x3] =	sbarrier.arrive $0xFFFF;
	s2 =	simm.s32 @!p0 $0x1C05  }
0x98: {  	[timem:s3], [sflag:s2] =	dma.local @!p0 [hbm:s0], s1  }
0x99: {  	s0 =	simm.s32 @!p0 $0x5  }
0x9a: {  	_ =	swait.ge @!p0 [sflag:s0], s1  }
0x9b: {  	s1 =	ssub.s32 @!p0 $0x0, s1;
	[sflag:s0] =	ssyncset.done @!p0 $0x0  }
0x9c: {  	[sflag:s0] =	ssyncadd.s32 @!p0 s1  }
0x9d: {  	[bflag:$0x3] =	sbarrier.arrive $0xFFFF  }
0x9e: {  	_ =	shalt  }

// kernel: kernel.13.cloned.1.call-start
scs
__scs_entry_jumppad:
0x0: {  	(pc) =	sbr.rel $0x88, $3  }
0x1: {  	(tag) =	ssettag $0x0;
	lr =	simm.s32 $0x1  }
0x2: {  	[smem:$0x3F96] =	sst lr;
	_ =	strace $0xD0000000  }
0x3: {  	_ = 	snop  }
0x4: {  	_ = 	snop  }
0x5: {  	_ = 	snop  }
0x6: {  	_ = 	snop  }
0x7: {  	_ = 	snop  }
__scs_overlays_trampoline_lowered:
0x8: {  	[smem:$0x3FA5] =	sst s0  }
0x9: {  	[smem:$0x3FA6] =	sst s1  }
0xa: {  	[smem:$0x3FA7] =	sst s2  }
0xb: {  	[smem:$0x3FA8] =	sst s3  }
0xc: {  	[smem:$0x3FA9] =	sst s4  }
0xd: {  	[smem:$0x3FAA] =	sst s5  }
0xe: {  	[smem:$0x3FAB] =	sst s6  }
0xf: {  	[smem:$0x3FAC] =	sst s7  }
0x10: {  	[smem:$0x3FAD] =	sst s8  }
0x11: {  	[smem:$0x3FAE] =	sst s9;
	s0 =	simm.s32 @!p0 $0x0  }
0x12: {  	s1 =	sld [smem:$0x3F94];
	s0 =	simm.s32 @p0 $0x1  }
0x13: {  	[smem:$0x3FAF] =	sst s0;
	s0 =	simm.s32 @!p1 $0x0  }
0x14: {  	s2 =	sld [smem:$0x3F93];
	s0 =	simm.s32 @p1 $0x1  }
0x15: {  	[smem:$0x3FB0] =	sst s0;
	s0 =	simm.s32 @!p2 $0x0  }
0x16: {  	s3 =	sld [smem:$0x3FDB];
	s0 =	simm.s32 @p2 $0x1  }
0x17: {  	s4 =	simm.s32 $0x1BF5;
	[smem:$0x3FB2] =	sst s0  }
0x18: {  	s0 =	sld [smem:$0x3F95];
	_ =	swait.ge [sflag:s4], $0x0  }
0x19: {  	s7 =	sld [smem:$0x3F96]  }
0x1a: {  	s8 =	sadd.s32 $0xFFFFE003, lr  }
0x1b: {  	s9 =	sadd.s32 $0xFFFFFEF7, lr;
	s5 =	simm.s32 $0xFFFFFFFF;
	p2 =	slt.u32 s8, $0xFFFFF086  }
0x1c: {  	p1 =	slt.u32 s9, $0xF7A;
	s5 =	simm.s32 @!p2 $0x0  }
0x1d: {  	s5 =	simm.s32 @p1 $0x1;
	p0 =	seq.s32 s7, s2  }
0x1e: {  	s7 =	smul.u32 @!p0 $0xF7A, s2;
	p2 =	seq.s32 @!p0 s5, $0x0  }
0x1f: {  	s9 =	smul.u32 $0xF7A, s1;
	s8 =	simm.s32 @!p0 $0x1BF5;
	p2 =	por !p2, p0  }
0x20: {  	[sflag:s8] =	ssyncset.s32 @!p0 $0xFFFFF086;
	s6 =	sadd.s32 @!p0 s3, s7;
	s7 =	simm.s32 @!p0 $0x108  }
0x21: {  	s3 =	sadd.s32 s3, s9;
	s6 =	sadd.s32 @!p0 $0x88, s6;
	s7 =	simm.s32 @p2 $0x1082  }
0x22: {  	[simem:s7], [sflag:s8] =	dma.local @!p0 [hbm:s6], $0xF7A  }
0x23: {  	s9 =	sor.u32 $0xD0000000, s2;
	s6 =	simm.s32 $0x108;
	_ =	swait.ge @!p0 [sflag:s8], $0x0  }
0x24: {  	s3 =	sadd.s32 $0x88, s3;
	s6 =	simm.s32 @!p1 $0x1082;
	[sflag:s4] =	ssyncset.s32 $0xFFFFF086  }
0x25: {  	[simem:s6], [sflag:s4] =	dma.local [hbm:s3], $0xF7A  }
0x26: {  	[smem:$0x3F96] =	sst s1;
	(tag) =	ssettag s2;
	_ =	strace s9  }
0x27: {  	s1 =	sld [smem:$0x3FA6]  }
0x28: {  	s2 =	sld [smem:$0x3FA7]  }
0x29: {  	s4 =	sld [smem:$0x3FA9]  }
0x2a: {  	p0 =	seq.s32 s5, $0x0;
	s5 =	sld [smem:$0x3FAA]  }
0x2b: {  	s6 =	sld [smem:$0x3FAB]  }
0x2c: {  	s7 =	sld [smem:$0x3FAC]  }
0x2d: {  	s3 =	simm.s32 $0x108;
	s8 =	sld [smem:$0x3FAD]  }
0x2e: {  	s3 =	simm.s32 @!p0 $0x1082;
	s9 =	sld [smem:$0x3FAE]  }
0x2f: {  	lr =	sadd.s32 s0, s3;
	s0 =	sld [smem:$0x3FA5]  }
0x30: {  	s3 =	sld [smem:$0x3FA8]  }
0x31: {  	[smem:$0x3FB1] =	sst s10  }
0x32: {  	s10 =	sld [smem:$0x3FAF];
	_ =	sdelay $0x3  }
0x33: {  	p0 =	seq.s32 s10, $0x1;
	s10 =	sld [smem:$0x3FB1];
	_ =	sdelay $0x3  }
0x34: {  	[smem:$0x3FB1] =	sst s10  }
0x35: {  	s10 =	sld [smem:$0x3FB0];
	_ =	sdelay $0x3  }
0x36: {  	p1 =	seq.s32 s10, $0x1;
	s10 =	sld [smem:$0x3FB1];
	_ =	sdelay $0x3  }
0x37: {  	[smem:$0x3FB1] =	sst s10  }
0x38: {  	s10 =	sld [smem:$0x3FB2]  }
0x39: {  	_ = 	snop;
	(pc) =	sbr.ind lr, $3  }
0x3a: {  	_ = 	snop  }
0x3b: {  	_ = 	snop  }
0x3c: {  	p2 =	seq.s32 s10, $0x1;
	s10 =	sld [smem:$0x3FB1]  }
0x3d: {  	_ =	shalt  }
0x3e: {  	_ =	shalt  }
0x3f: {  	_ =	shalt  }
0x40: {  	_ =	shalt  }
0x41: {  	_ =	shalt  }
0x42: {  	_ =	shalt  }
0x43: {  	_ =	shalt  }
0x44: {  	_ =	shalt  }
0x45: {  	_ =	shalt  }
0x46: {  	_ =	shalt  }
0x47: {  	_ =	shalt  }
0x48: {  	_ =	shalt  }
0x49: {  	_ =	shalt  }
0x4a: {  	_ =	shalt  }
0x4b: {  	_ =	shalt  }
0x4c: {  	_ =	shalt  }
0x4d: {  	_ =	shalt  }
0x4e: {  	_ =	shalt  }
0x4f: {  	_ =	shalt  }
0x50: {  	_ =	shalt  }
0x51: {  	_ =	shalt  }
0x52: {  	_ =	shalt  }
0x53: {  	_ =	shalt  }
0x54: {  	_ =	shalt  }
0x55: {  	_ =	shalt  }
0x56: {  	_ =	shalt  }
0x57: {  	_ =	shalt  }
0x58: {  	_ =	shalt  }
0x59: {  	_ =	shalt  }
0x5a: {  	_ =	shalt  }
0x5b: {  	_ =	shalt  }
0x5c: {  	_ =	shalt  }
0x5d: {  	_ =	shalt  }
0x5e: {  	_ =	shalt  }
0x5f: {  	_ =	shalt  }
0x60: {  	_ =	shalt  }
0x61: {  	_ =	shalt  }
0x62: {  	_ =	shalt  }
0x63: {  	_ =	shalt  }
0x64: {  	_ =	shalt  }
0x65: {  	_ =	shalt  }
0x66: {  	_ =	shalt  }
0x67: {  	_ =	shalt  }
0x68: {  	_ =	shalt  }
0x69: {  	_ =	shalt  }
0x6a: {  	_ =	shalt  }
0x6b: {  	_ =	shalt  }
0x6c: {  	_ =	shalt  }
0x6d: {  	_ =	shalt  }
0x6e: {  	_ =	shalt  }
0x6f: {  	_ =	shalt  }
0x70: {  	_ =	shalt  }
0x71: {  	_ =	shalt  }
0x72: {  	_ =	shalt  }
0x73: {  	_ =	shalt  }
0x74: {  	_ =	shalt  }
0x75: {  	_ =	shalt  }
0x76: {  	_ =	shalt  }
0x77: {  	_ =	shalt  }
0x78: {  	_ =	shalt  }
0x79: {  	_ =	shalt  }
0x7a: {  	_ =	shalt  }
0x7b: {  	_ =	shalt  }
0x7c: {  	_ =	shalt  }
0x7d: {  	_ =	shalt  }
0x7e: {  	_ =	shalt  }
0x7f: {  	_ =	shalt  }
0x80: {  	_ =	shalt  }
0x81: {  	_ =	shalt  }
0x82: {  	_ =	shalt  }
0x83: {  	_ =	shalt  }
0x84: {  	_ =	shalt  }
0x85: {  	_ =	shalt  }
0x86: {  	_ =	shalt  }
0x87: {  	_ =	shalt  }
.Lfunc_end0:
.L_simem_size_0:
called_computation.2_lowered:
.L_overlay_start_0:
0x88: {  	s2 =	sld [smem:$0x3FD9]  }
0x89: {  	s3 =	sld [smem:$0x3FFE];
	_ =	sdelay $0x1  }
0x8a: {  	s1 =	srdreg.scid  }
0x8b: {  	s0 =	sand.u32 $0x1, s1  }
0x8c: {  	s17 =	sshll.u32 s0, $0xA;
	s2 =	sadd.s32 s3, s2  }
0x8d: {  	s2 =	sadd.s32 s2, s17  }
0x8e: {  	[smem:$0x3FBD] =	sst s2  }
0x8f: {  	_ = 	snop  }
0x90: {  	s18 =	sld [smem:$0x3FD0];
	(tm) =	ssettm $0x1  }
0x91: {  	s19 =	sld [smem:$0x3FFB];
	_ =	sdelay $0x3  }
0x92: {  	_ =	strace s19  }
0x93: {  	s2 =	sld [smem:$0x3FFC];
	_ =	sdelay $0x3  }
0x94: {  	_ =	strace s2  }
0x95: {  	s2 =	sld [smem:$0x3FFD];
	_ =	sdelay $0x3  }
0x96: {  	_ =	strace s2  }
0x97: {  	_ =	strace $0x8FFFFFFF  }
0x98: {  	s20 =	sld [smem:$0x3FDB];
	_ =	sdelay $0x1  }
0x99: {  	s4 =	simm.s32 $_scs_section_size  }
0x9a: {  	s5 =	simm.s32 $_size__tile_overlayer_lowered;
	s6 =	simm.s32 $_tile_overlayer_lowered  }
0x9b: {  	s7 =	simm.s32 $0x1BFF;
	s21 =	sshll.u32 s6, $0x1;
	s4 =	sadd.s32 s4, s20  }
0x9c: {  	s22 =	simm.s32 $0x0;
	s5 =	sshll.u32 s5, $0x1;
	s6 =	sadd.s32 s21, s4  }
0x9d: {  	[timem:s22], [sflag:s7] =	dma.local [hbm:s6], s5  }
0x9e: {  	_ =	swait.ge [sflag:s7], s5  }
0x9f: {  	s5 =	ssub.s32 $0x0, s5;
	[sflag:s7] =	ssyncset.done $0x0  }
0xa0: {  	[sflag:s7] =	ssyncadd.s32 s5;
	_ =	sdelay $0x1  }
0xa1: {  	s23 =	simm.s32 $0x1B8B  }
0xa2: {  	_ =	swait.ge [sflag:s23], $0x1  }
0xa3: {  	[sflag:s23] =	ssyncset.done $0x0  }
0xa4: {  	[sflag:s23] =	ssyncadd.s32 $0xFFFFFFFF  }
0xa5: {  	s5 =	sld [smem:$0x0]  }
0xa6: {  	s6 =	sand.u32 $0xFFFFFFFE, s1  }
0xa7: {  	p0 =	sne.s32 s1, s6  }
0xa8: {  	s6 =	sshll.u32 @p0 s6, $0xE  }
0xa9: {  	s6 =	sadd.s32 @p0 $0x11B8D, s6;
	s7 =	sshll.u32 @p0 s5, $0x11  }
0xaa: {  	s6 =	sor.u32 @p0 s7, s6  }
0xab: {  	[sflag:s6] =	ssyncadd.remote.s32 @p0 $0x1;
	_ =	sdelay $0x1  }
0xac: {  	s6 =	simm.s32 @p0 $0x1B8D  }
0xad: {  	_ =	swait.eq @p0 [sflag:s6], $0x1  }
0xae: {  	[sflag:s6] =	ssyncadd.s32 @p0 $0xFFFFFFFF  }
0xaf: {  	s7 =	sshll.u32 @!p0 s1, $0xE  }
0xb0: {  	s7 =	sor.u32 @!p0 $0x4000, s7;
	s6 =	simm.s32 @!p0 $0x1B8D  }
0xb1: {  	s5 =	sshll.u32 @!p0 s5, $0x11;
	s7 =	sadd.s32 @!p0 $0x11B8D, s7;
	_ =	swait.eq @!p0 [sflag:s6], $0x1  }
0xb2: {  	s5 =	sor.u32 @!p0 s5, s7;
	[sflag:s6] =	ssyncadd.s32 @!p0 $0xFFFFFFFF  }
0xb3: {  	s25 =	simm.s32 $0x1B8E;
	s24 =	sld [smem:$0x3FFE];
	[sflag:s5] =	ssyncadd.remote.s32 @!p0 $0x1  }
0xb4: {  	s26 =	simm.s32 $execute0_lowered;
	[smem:$0x3FD2] =	sst s25  }
0xb5: {  	s6 =	sshll.u32 s26, $0x1;
	_ =	strace $0x8000004C;
	[dreg:$0x1] =	wrdreg $0xFFFFFFFF  }
0xb6: {  	s28 =	simm.s32 $_size_execute0_lowered;
	s4 =	sadd.s32 s4, s6;
	[dreg:$0x0] =	wrdreg $0x0  }
0xb7: {  	s6 =	sshll.u32 s28, $0x1;
	[dreg:$0x2] =	wrdreg s4  }
0xb8: {  	[dreg:$0x3] =	wrdreg s6  }
0xb9: {  	[dreg:$0x4] =	wrdreg $0xC0  }
0xba: {  	_ =	task [dreg:s22], $0x5FFFF  }
0xbb: {  	[dreg:$0x1] =	wrdreg $0xFFFFFFFF  }
0xbc: {  	[dreg:$0x0] =	wrdreg $0x60  }
0xbd: {  	[dreg:$0x2] =	wrdreg s24  }
0xbe: {  	[dreg:$0x3] =	wrdreg s18  }
0xbf: {  	[dreg:$0x4] =	wrdreg $0x68B00  }
0xc0: {  	[dreg:$0x5] =	wrdreg $0xA  }
0xc1: {  	_ =	task.clear_ibuf [dreg:s22], $0x6FFFF;
	_ =	strace $0x9000004C  }
0xc2: {  	s29 =	simm.s32 $0xA;
	_ =	strace $0x8000004E  }
0xc3: {  	_ =	swait.ge [sflag:s29], $0x1  }
0xc4: {  	[sflag:s29] =	ssyncadd.s32 $0xFFFFFFFF  }
0xc5: {  	_ =	strace $0x9000004E  }
0xc6: {  	_ =	sfence  }
0xc7: {  	s30 =	sld [smem:$0x0];
	_ =	sdelay $0x2  }
0xc8: {  	s31 =	sshll.u32 s1, $0xD;
	s1 =	sshrl.u32 s1, $0x2  }
0xc9: {  	s4 =	sand.u32 $0x4000, s31;
	s1 =	sadd.s32 s1, s30  }
0xca: {  	s0 =	sor.u32 s4, s0;
	s1 =	sshll.u32 s1, $0x11  }
0xcb: {  	s0 =	sor.u32 s1, s0  }
0xcc: {  	s0 =	sadd.s32 $0x8F2B, s0  }
0xcd: {  	[sflag:s0] =	ssyncadd.remote.s32 $0x1  }
0xce: {  	_ =	sfence.sel $0xFFFF  }
0xcf: {  	[dreg:$0x0] =	wrdreg $0xFFFFFFFF;
	(pc) =	sbr.abs _section_cstart, $3  }
0xd0: {  	[dreg:$0x1] =	wrdreg $0xFFFFFFFF  }
0xd1: {  	_ =	task.clear_ibuf [dreg:s22], $0x2FFFF;
	_ =	strace $0x9FFFFFFF  }
0xd2: {  	(tm) =	ssettm $0x7FFFFFFF  }
0xd3: {  	_ =	shalt  }
tec
execute0_lowered:
.L_overlay_start_1:
0x0: {  	(tag) =	ssettag $0x1  }
0x1: {  	s0 =	rddreg [dreg:$0x0]  }
0x2: {  	s2 =	rddreg [dreg:$0x1];
	s12 =	stileid.u32  }
0x3: {  	s1 =	rddreg [dreg:$0x2];
	s3 =	simm.s32 $0x0;
	s7 =	smul.u32 $0x186A0, s12  }
0x4: {  	s5 =	srdreg.scid;
	s28 =	simm.s32 $0x6720;
	s11 =	smul.u32 $0x61A80, s12  }
0x5: {  	s31 =	simm.s32 $0x0;
	[smem:$0x7FF] =	sst s3;
	s10 =	smul.u32 $0x64000, s12  }
0x6: {  	s4 =	sadd.s32 $0x1BA000, s0;
	s6 =	sand.u32 $0x1, s5;
	s25 =	smul.u32 $0x30D4, s12  }
0x7: {  	s5 =	sadd.s32 $0xE81A00, s0;
	s20 =	ssub.s32 $0x2, s6;
	s29 =	smul.u32 $0xC350, s6  }
0x8: {  	_ =	strace $0x8000004D;
	s24 =	smul.u32 $0x30D40, s6;
	s8 =	sshrl.u32 s20, $0x1  }
0x9: {  	s9 =	sshrl.u32 s7, $0x3;
	s22 =	sadd.s32 s5, s11;
	s10 =	sshrl.u32 s10, $0x2  }
0xa: {  	s26 =	sshrl.u32 s11, $0x2;
	s0 =	ssub.s32 s20, s8;
	s21 =	sadd.s32 s4, s9  }
0xb: {  	[dreg:$0x5] =	wrdreg s22;
	s8 =	sadd.s32 $0x190, s7;
	s30 =	sadd.s32 $0xC350, s29  }
0xc: {  	s9 =	sadd.s32 $0x320, s7;
	s10 =	sadd.s32 s10, s1;
	s20 =	sadd.s32 s26, s1  }
0xd: {  	s22 =	simm.s32 $0x5;
	s26 =	simm.s32 $0x3;
	v0 =	vmov s29;
	s29 =	simm.s32 $0x2  }
0xe: {  	[dreg:$0x4] =	wrdreg s21;
	s0 =	smax.u32 s0, $0x1;
	s23 =	sadd.s32 $0x3200, s10  }
0xf: {  	s13 =	sadd.s32 $0x6400, s10;
	s14 =	sadd.s32 $0x9600, s10;
	s15 =	sadd.s32 $0xC800, s10  }
0x10: {  	s16 =	sadd.s32 $0xFA00, s10;
	s17 =	sadd.s32 $0x12C00, s10;
	s18 =	sadd.s32 $0x15E00, s10  }
0x11: {  	s21 =	simm.s32 $0x320;
	v1 =	vmov s30;
	s30 =	simm.s32 $0x4;
	[dreg:$0x6] =	wrdreg s0  }
0x12: {  	[dreg:$0x7] =	wrdreg s23;
	s0 =	sadd.s32 s24, s2;
	s23 =	simm.s32 $0x190  }
0x13: {  	v2 =	vimm.f32 $0.0e+00;
	s24 =	simm.s32 $0x3520;
	s19 =	sadd.s32 s25, s0;
	s25 =	simm.s32 $0x1  }
.LBB2_1:
0x14: {  	s0 =	simm.s32 $0x80;
	s2 =	simm.s32 $0x0  }
.LBB2_2:
0x15: {  	p0 =	sne.s32 s0, $0xC780;
	[tilespmem:s2+$0x320] =	vst v2;
	s6 =	smov.u32 s0;
	s0 =	sadd.s32 $0x80, s0  }
.Ltmp0:
0x16: {  	[tilespmem:s2+$0x330] =	vst v2;
	(pc) =	sbr.rel @p0 .LBB2_2-.Ltmp0, $2  }
0x17: {  	_ =	sdelay $0x2  }
0x18: {  	s2 =	sshra.s32 s6, $0x2  }
0x19: {  	[tilespmem:s2+$0x320] =	vst v2  }
0x1a: {  	[tilespmem:s2+$0x330] =	vst v2  }
0x1b: {  	[spmem:s10] =	stream.linear.scatter [tilespmem:s21], [sflag:$0x5], $0x3200, $0x38;
	[tilespmem:$0x1F8B0] =	vst v63  }
0x1c: {  	_ =	swait.ge [sflag:s22], $0x3200  }
0x1d: {  	[sflag:s22] =	ssyncset.done $0x0  }
0x1e: {  	s0 =	rddreg [dreg:$0x7];
	[sflag:s22] =	ssyncadd.s32 $0xFFFFCE00  }
0x1f: {  	[spmem:s0] =	stream.linear.scatter [tilespmem:s21], [sflag:$0x5], $0x3200, $0x38;
	[tilespmem:$0x1F8B0] =	vst v63  }
0x20: {  	_ =	swait.ge [sflag:s22], $0x3200  }
0x21: {  	[sflag:s22] =	ssyncset.done $0x0  }
0x22: {  	[sflag:s22] =	ssyncadd.s32 $0xFFFFCE00  }
0x23: {  	[spmem:s13] =	stream.linear.scatter [tilespmem:s21], [sflag:$0x5], $0x3200, $0x38;
	[tilespmem:$0x1F8B0] =	vst v63  }
0x24: {  	_ =	swait.ge [sflag:s22], $0x3200  }
0x25: {  	[sflag:s22] =	ssyncset.done $0x0  }
0x26: {  	[sflag:s22] =	ssyncadd.s32 $0xFFFFCE00  }
0x27: {  	[spmem:s14] =	stream.linear.scatter [tilespmem:s21], [sflag:$0x5], $0x3200, $0x38;
	[tilespmem:$0x1F8B0] =	vst v63  }
0x28: {  	_ =	swait.ge [sflag:s22], $0x3200  }
0x29: {  	[sflag:s22] =	ssyncset.done $0x0  }
0x2a: {  	[sflag:s22] =	ssyncadd.s32 $0xFFFFCE00  }
0x2b: {  	[spmem:s15] =	stream.linear.scatter [tilespmem:s21], [sflag:$0x5], $0x3200, $0x38;
	[tilespmem:$0x1F8B0] =	vst v63  }
0x2c: {  	_ =	swait.ge [sflag:s22], $0x3200  }
0x2d: {  	[sflag:s22] =	ssyncset.done $0x0  }
0x2e: {  	[sflag:s22] =	ssyncadd.s32 $0xFFFFCE00  }
0x2f: {  	[spmem:s16] =	stream.linear.scatter [tilespmem:s21], [sflag:$0x5], $0x3200, $0x38;
	[tilespmem:$0x1F8B0] =	vst v63  }
0x30: {  	_ =	swait.ge [sflag:s22], $0x3200  }
0x31: {  	[sflag:s22] =	ssyncset.done $0x0  }
0x32: {  	[sflag:s22] =	ssyncadd.s32 $0xFFFFCE00  }
0x33: {  	[spmem:s17] =	stream.linear.scatter [tilespmem:s21], [sflag:$0x5], $0x3200, $0x38;
	[tilespmem:$0x1F8B0] =	vst v63  }
0x34: {  	_ =	swait.ge [sflag:s22], $0x3200  }
0x35: {  	[sflag:s22] =	ssyncset.done $0x0  }
0x36: {  	[sflag:s22] =	ssyncadd.s32 $0xFFFFCE00  }
0x37: {  	[spmem:s18] =	stream.linear.scatter [tilespmem:s21], [sflag:$0x5], $0x3200, $0x38;
	[tilespmem:$0x1F8B0] =	vst v63  }
0x38: {  	_ =	swait.ge [sflag:s22], $0x3200  }
0x39: {  	[sflag:s22] =	ssyncset.done $0x0  }
0x3a: {  	[sflag:s22] =	ssyncadd.s32 $0xFFFFCE00  }
0x3b: {  	[bflag:$0x0] =	sbarrier.arrive $0xFFFF  }
0x3c: {  	s0 =	simm.s32 $0x0;
	s11 =	rddreg [dreg:$0x4]  }
0x3d: {  	[tilespmem:s0], [sflag:$0x1] =	stream.linear.gather [hbm4b:s11+s0], $0x190, $0x38;
	[tilespmem:$0x1F8B0] =	vst v63  }
0x3e: {  	s2 =	simm.s32 $0x0;
	s12 =	rddreg [dreg:$0x5]  }
0x3f: {  	[tilespmem:s21], [sflag:$0x3] =	stream.linear.gather [hbm4b:s12+s0], $0x3200, $0x38;
	[tilespmem:$0x1F8B0] =	vst v63  }
.LBB2_4:
0x40: {  	s6 =	smul.u32 $0x320, s2;
	_ =	sdelay $0x1  }
0x41: {  	s7 =	sadd.s32 s6, s8  }
0x42: {  	s11 =	sshrl.u32 s7, $0x3  }
0x43: {  	s7 =	sshll.u32 s7, $0x2;
	s11 =	sadd.s32 s4, s11  }
0x44: {  	[tilespmem:s23], [sflag:$0x2] =	stream.linear.gather [hbm4b:s11+s0], $0x190, $0x38;
	[tilespmem:$0x1F8B0] =	vst v63  }
0x45: {  	s7 =	sadd.s32 s5, s7  }
0x46: {  	[tilespmem:s24], [sflag:$0x4] =	stream.linear.gather [hbm4b:s7+s0], $0x3200, $0x38;
	[tilespmem:$0x1F8B0] =	vst v63  }
0x47: {  	_ =	swait.ge [sflag:s25], $0x190  }
0x48: {  	[sflag:s25] =	ssyncset.done $0x0  }
0x49: {  	s7 =	simm.s32 $0x0;
	[sflag:s25] =	ssyncadd.s32 $0xFFFFFE70  }
0x4a: {  	s11 =	simm.s32 $0x40;
	v3 =	vld [tilespmem:s7+$0x0]  }
.LBB2_5:
0x4b: {  	_ =	sdelay $0x1  }
0x4c: {  	p0 =	sne.s32 s11, $0x600  }
.Ltmp1:
0x4d: {  	_ = 	snop;
	(pc) =	sbr.rel @p0 .LBB2_5-.Ltmp1, $4  }
0x4e: {  	vm0 =	vge.s32 v3, v0;
	vm1 =	vlt.s32 v3, v1;
	v4 =	vand.u32 $0x3FF, v3  }
0x4f: {  	v5 =	vsub.s32 v3, v0;
	vm0 =	vmand vm0, vm1;
	v4 =	vadd.s32 $0xC350, v4  }
0x50: {  	s12 =	sshra.s32 s11, $0x2;
	v4 =	vsel vm0, v5, v4  }
0x51: {  	s11 =	sadd.s32 $0x40, s11;
	v3 =	vld [tilespmem:s12+$0x0];
	[tilespmem:s7+$0x6720] =	vst v4;
	s7 =	smov.u32 s12  }
0x52: {  	_ =	sdelay $0x3  }
0x53: {  	vm0 =	vge.s32 v3, v0;
	vm1 =	vlt.s32 v3, v1;
	v4 =	vand.u32 $0x3FF, v3  }
0x54: {  	v3 =	vsub.s32 v3, v0;
	vm0 =	vmand vm0, vm1;
	v4 =	vadd.s32 $0xC350, v4  }
0x55: {  	v3 =	vsel vm0, v3, v4  }
0x56: {  	[tilespmem:s7+$0x6720] =	vst v3  }
0x57: {  	_ =	swait.ge [sflag:s26], $0x3200  }
0x58: {  	[sflag:s26] =	ssyncset.done $0x0  }
0x59: {  	p0 =	seq.s32 s2, $0x7C;
	[sflag:s26] =	ssyncadd.s32 $0xFFFFCE00  }
0x5a: {  	[spmem:s1] =	stream.indirect.scatter.add.f32 [tilespmem:s21], [sflag:$0x5], $0x20, s28, s23, $0xb8;
	[tilespmem:$0x1F8B0] =	vst v63  }
0x5b: {  	s6 =	sadd.s32 @!p0 s6, s9;
	_ =	swait.ge [sflag:s22], $0x3200  }
0x5c: {  	s11 =	simm.s32 @!p0 $0x0;
	s7 =	sshrl.u32 @!p0 s6, $0x3;
	[sflag:s22] =	ssyncset.done $0x0  }
0x5d: {  	s6 =	sshll.u32 @!p0 s6, $0x2;
	s7 =	sadd.s32 @!p0 s4, s7;
	[sflag:s22] =	ssyncadd.s32 $0xFFFFCE00  }
0x5e: {  	[tilespmem:s11], [sflag:$0x1] =	stream.linear.gather @!p0 [hbm4b:s7+s11], $0x190, $0x38;
	[tilespmem:$0x1F8B0] =	vst v63  }
0x5f: {  	s6 =	sadd.s32 @!p0 s5, s6;
	s7 =	simm.s32 @!p0 $0x320  }
0x60: {  	[tilespmem:s7], [sflag:$0x3] =	stream.linear.gather @!p0 [hbm4b:s6+s11], $0x3200, $0x38;
	[tilespmem:$0x1F8B0] =	vst v63  }
0x61: {  	_ =	swait.ge [sflag:s29], $0x190  }
0x62: {  	[sflag:s29] =	ssyncset.done $0x0  }
0x63: {  	s6 =	simm.s32 $0x0;
	[sflag:s29] =	ssyncadd.s32 $0xFFFFFE70  }
0x64: {  	s7 =	simm.s32 $0x40;
	v3 =	vld [tilespmem:s6+$0x190]  }
.LBB2_7:
0x65: {  	_ =	sdelay $0x1  }
0x66: {  	p0 =	sne.s32 s7, $0x600  }
.Ltmp2:
0x67: {  	_ = 	snop;
	(pc) =	sbr.rel @p0 .LBB2_7-.Ltmp2, $4  }
0x68: {  	vm0 =	vge.s32 v3, v0;
	vm1 =	vlt.s32 v3, v1;
	v4 =	vand.u32 $0x3FF, v3  }
0x69: {  	v5 =	vsub.s32 v3, v0;
	vm0 =	vmand vm0, vm1;
	v4 =	vadd.s32 $0xC350, v4  }
0x6a: {  	s11 =	sshra.s32 s7, $0x2;
	v4 =	vsel vm0, v5, v4  }
0x6b: {  	s7 =	sadd.s32 $0x40, s7;
	v3 =	vld [tilespmem:s11+$0x190];
	[tilespmem:s6+$0x6720] =	vst v4;
	s6 =	smov.u32 s11  }
0x6c: {  	_ =	sdelay $0x3  }
0x6d: {  	vm0 =	vge.s32 v3, v0;
	vm1 =	vlt.s32 v3, v1;
	v4 =	vand.u32 $0x3FF, v3  }
0x6e: {  	v3 =	vsub.s32 v3, v0;
	vm0 =	vmand vm0, vm1;
	v4 =	vadd.s32 $0xC350, v4  }
0x6f: {  	v3 =	vsel vm0, v3, v4  }
0x70: {  	[tilespmem:s6+$0x6720] =	vst v3  }
0x71: {  	s2 =	sadd.s32 $0x1, s2;
	_ =	swait.ge [sflag:s30], $0x3200  }
0x72: {  	p0 =	sne.s32 s2, $0x7D;
	[sflag:s30] =	ssyncset.done $0x0  }
.Ltmp3:
0x73: {  	[sflag:s30] =	ssyncadd.s32 $0xFFFFCE00;
	(pc) =	sbr.rel @p0 .LBB2_4-.Ltmp3, $4  }
0x74: {  	[spmem:s1] =	stream.indirect.scatter.add.f32 [tilespmem:s24], [sflag:$0x5], $0x20, s28, s23, $0xb8;
	[tilespmem:$0x1F8B0] =	vst v63  }
0x75: {  	_ =	swait.ge [sflag:s22], $0x3200  }
0x76: {  	[sflag:s22] =	ssyncset.done $0x0  }
0x77: {  	[sflag:s22] =	ssyncadd.s32 $0xFFFFCE00  }
0x78: {  	[bflag:$0x0] =	sbarrier.arrive $0xFFFF  }
0x79: {  	[tilespmem:s21], [sflag:$0x5] =	stream.linear.gather [spmem:s20], $0xFA0, $0x38;
	[tilespmem:$0x1F8B0] =	vst v63  }
0x7a: {  	_ =	swait.ge [sflag:s22], $0xFA0  }
0x7b: {  	[sflag:s22] =	ssyncset.done $0x0  }
0x7c: {  	s0 =	sadd.s32 $0x0, s19;
	[sflag:s22] =	ssyncadd.s32 $0xFFFFF060  }
0x7d: {  	[hbm4b:s0+s3] =	stream.linear.scatter [tilespmem:s21], [sflag:$0x5], $0xFA0, $0x38;
	[tilespmem:$0x1F8B0] =	vst v63  }
0x7e: {  	_ =	swait.ge [sflag:s22], $0xFA0  }
0x7f: {  	s2 =	smov.u32 s20;
	s0 =	simm.s32 $0x1F4;
	[sflag:s22] =	ssyncset.done $0x0  }
.LBB2_10:
0x80: {  	p0 =	sne.s32 s0, $0x2EE0;
	[sflag:s22] =	ssyncadd.s32 $0xFFFFF060;
	s2 =	sadd.s32 $0xFA0, s2  }
0x81: {  	[tilespmem:s21], [sflag:$0x5] =	stream.linear.gather [spmem:s2], $0xFA0, $0x38;
	[tilespmem:$0x1F8B0] =	vst v63  }
0x82: {  	s6 =	smov.u32 s0;
	s0 =	sadd.s32 $0x1F4, s0;
	_ =	swait.ge [sflag:s22], $0xFA0  }
.Ltmp4:
0x83: {  	[sflag:s22] =	ssyncset.done $0x0;
	(pc) =	sbr.rel @p0 .LBB2_10-.Ltmp4, $4  }
0x84: {  	s6 =	sadd.s32 s6, s19;
	[sflag:s22] =	ssyncadd.s32 $0xFFFFF060  }
0x85: {  	[hbm4b:s6+s3] =	stream.linear.scatter [tilespmem:s21], [sflag:$0x5], $0xFA0, $0x38;
	[tilespmem:$0x1F8B0] =	vst v63  }
0x86: {  	_ =	swait.ge [sflag:s22], $0xFA0  }
0x87: {  	[sflag:s22] =	ssyncset.done $0x0  }
0x88: {  	s31 =	sadd.s32 $0x1, s31;
	s0 =	rddreg [dreg:$0x6]  }
0x89: {  	p0 =	sne.s32 s31, s0  }
.Ltmp5:
0x8a: {  	_ = 	snop;
	(pc) =	sbr.rel @p0 .LBB2_1-.Ltmp5, $2  }
0x8b: {  	_ =	sdelay $0x2  }
0x8c: {  	[sflag:s22] =	ssyncadd.s32 $0xFFFFF060  }
0x8d: {  	_ =	sfence.sel $0x180000  }
0x8e: {  	[bflag:$0x0] =	sbarrier.arrive $0xFFFF  }
0x8f: {  	_ =	strace $0x9000004D  }
0x90: {  	s0 =	stileid.u32;
	[bflag:$0x2] =	sbarrier.arrive $0xFFFF  }
0x91: {  	p0 =	sne.s32 s0, $0x0;
	s0 =	rddreg [dreg:$0x3]  }
0x92: {  	s0 =	sadd.s32 @!p0 $0x100000, s0  }
0x93: {  	[sflag:s0] =	ssyncadd.tile.s32 @!p0 $0x1;
	_ =	shalt  }
.Lfunc_end2:
_tile_overlayer_lowered:
.L_overlay_start_2:
0x94: {  	(tag) =	ssettag $0x2  }
0x95: {  	s0 =	rddreg [dreg:$0x0];
	s2 =	stileid.u32  }
0x96: {  	s1 =	rddreg [dreg:$0x1];
	p0 =	sne.s32 s2, $0x0  }
0x97: {  	s3 =	rddreg [dreg:$0x2];
	[bflag:$0x3] =	sbarrier.arrive $0xFFFF;
	s2 =	simm.s32 @!p0 $0x1C05  }
0x98: {  	[timem:s3], [sflag:s2] =	dma.local @!p0 [hbm:s0], s1  }
0x99: {  	s0 =	simm.s32 @!p0 $0x5  }
0x9a: {  	_ =	swait.ge @!p0 [sflag:s0], s1  }
0x9b: {  	s1 =	ssub.s32 @!p0 $0x0, s1;
	[sflag:s0] =	ssyncset.done @!p0 $0x0  }
0x9c: {  	[sflag:s0] =	ssyncadd.s32 @!p0 s1  }
0x9d: {  	[bflag:$0x3] =	sbarrier.arrive $0xFFFF  }
0x9e: {  	_ =	shalt  }

// kernel: kernel.7.cloned.1.call-start
scs
__scs_entry_jumppad:
0x0: {  	(pc) =	sbr.rel $0x88, $3  }
0x1: {  	(tag) =	ssettag $0x0;
	lr =	simm.s32 $0x1  }
0x2: {  	[smem:$0x3F96] =	sst lr;
	_ =	strace $0xD0000000  }
0x3: {  	_ = 	snop  }
0x4: {  	_ = 	snop  }
0x5: {  	_ = 	snop  }
0x6: {  	_ = 	snop  }
0x7: {  	_ = 	snop  }
__scs_overlays_trampoline_lowered:
0x8: {  	[smem:$0x3FA5] =	sst s0  }
0x9: {  	[smem:$0x3FA6] =	sst s1  }
0xa: {  	[smem:$0x3FA7] =	sst s2  }
0xb: {  	[smem:$0x3FA8] =	sst s3  }
0xc: {  	[smem:$0x3FA9] =	sst s4  }
0xd: {  	[smem:$0x3FAA] =	sst s5  }
0xe: {  	[smem:$0x3FAB] =	sst s6  }
0xf: {  	[smem:$0x3FAC] =	sst s7  }
0x10: {  	[smem:$0x3FAD] =	sst s8  }
0x11: {  	[smem:$0x3FAE] =	sst s9;
	s0 =	simm.s32 @!p0 $0x0  }
0x12: {  	s1 =	sld [smem:$0x3F94];
	s0 =	simm.s32 @p0 $0x1  }
0x13: {  	[smem:$0x3FAF] =	sst s0;
	s0 =	simm.s32 @!p1 $0x0  }
0x14: {  	s2 =	sld [smem:$0x3F93];
	s0 =	simm.s32 @p1 $0x1  }
0x15: {  	[smem:$0x3FB0] =	sst s0;
	s0 =	simm.s32 @!p2 $0x0  }
0x16: {  	s3 =	sld [smem:$0x3FDB];
	s0 =	simm.s32 @p2 $0x1  }
0x17: {  	s4 =	simm.s32 $0x1BF5;
	[smem:$0x3FB2] =	sst s0  }
0x18: {  	s0 =	sld [smem:$0x3F95];
	_ =	swait.ge [sflag:s4], $0x0  }
0x19: {  	s7 =	sld [smem:$0x3F96]  }
0x1a: {  	s8 =	sadd.s32 $0xFFFFE003, lr  }
0x1b: {  	s9 =	sadd.s32 $0xFFFFFEF7, lr;
	s5 =	simm.s32 $0xFFFFFFFF;
	p2 =	slt.u32 s8, $0xFFFFF086  }
0x1c: {  	p1 =	slt.u32 s9, $0xF7A;
	s5 =	simm.s32 @!p2 $0x0  }
0x1d: {  	s5 =	simm.s32 @p1 $0x1;
	p0 =	seq.s32 s7, s2  }
0x1e: {  	s7 =	smul.u32 @!p0 $0xF7A, s2;
	p2 =	seq.s32 @!p0 s5, $0x0  }
0x1f: {  	s9 =	smul.u32 $0xF7A, s1;
	s8 =	simm.s32 @!p0 $0x1BF5;
	p2 =	por !p2, p0  }
0x20: {  	[sflag:s8] =	ssyncset.s32 @!p0 $0xFFFFF086;
	s6 =	sadd.s32 @!p0 s3, s7;
	s7 =	simm.s32 @!p0 $0x108  }
0x21: {  	s3 =	sadd.s32 s3, s9;
	s6 =	sadd.s32 @!p0 $0x88, s6;
	s7 =	simm.s32 @p2 $0x1082  }
0x22: {  	[simem:s7], [sflag:s8] =	dma.local @!p0 [hbm:s6], $0xF7A  }
0x23: {  	s9 =	sor.u32 $0xD0000000, s2;
	s6 =	simm.s32 $0x108;
	_ =	swait.ge @!p0 [sflag:s8], $0x0  }
0x24: {  	s3 =	sadd.s32 $0x88, s3;
	s6 =	simm.s32 @!p1 $0x1082;
	[sflag:s4] =	ssyncset.s32 $0xFFFFF086  }
0x25: {  	[simem:s6], [sflag:s4] =	dma.local [hbm:s3], $0xF7A  }
0x26: {  	[smem:$0x3F96] =	sst s1;
	(tag) =	ssettag s2;
	_ =	strace s9  }
0x27: {  	s1 =	sld [smem:$0x3FA6]  }
0x28: {  	s2 =	sld [smem:$0x3FA7]  }
0x29: {  	s4 =	sld [smem:$0x3FA9]  }
0x2a: {  	p0 =	seq.s32 s5, $0x0;
	s5 =	sld [smem:$0x3FAA]  }
0x2b: {  	s6 =	sld [smem:$0x3FAB]  }
0x2c: {  	s7 =	sld [smem:$0x3FAC]  }
0x2d: {  	s3 =	simm.s32 $0x108;
	s8 =	sld [smem:$0x3FAD]  }
0x2e: {  	s3 =	simm.s32 @!p0 $0x1082;
	s9 =	sld [smem:$0x3FAE]  }
0x2f: {  	lr =	sadd.s32 s0, s3;
	s0 =	sld [smem:$0x3FA5]  }
0x30: {  	s3 =	sld [smem:$0x3FA8]  }
0x31: {  	[smem:$0x3FB1] =	sst s10  }
0x32: {  	s10 =	sld [smem:$0x3FAF];
	_ =	sdelay $0x3  }
0x33: {  	p0 =	seq.s32 s10, $0x1;
	s10 =	sld [smem:$0x3FB1];
	_ =	sdelay $0x3  }
0x34: {  	[smem:$0x3FB1] =	sst s10  }
0x35: {  	s10 =	sld [smem:$0x3FB0];
	_ =	sdelay $0x3  }
0x36: {  	p1 =	seq.s32 s10, $0x1;
	s10 =	sld [smem:$0x3FB1];
	_ =	sdelay $0x3  }
0x37: {  	[smem:$0x3FB1] =	sst s10  }
0x38: {  	s10 =	sld [smem:$0x3FB2]  }
0x39: {  	_ = 	snop;
	(pc) =	sbr.ind lr, $3  }
0x3a: {  	_ = 	snop  }
0x3b: {  	_ = 	snop  }
0x3c: {  	p2 =	seq.s32 s10, $0x1;
	s10 =	sld [smem:$0x3FB1]  }
0x3d: {  	_ =	shalt  }
0x3e: {  	_ =	shalt  }
0x3f: {  	_ =	shalt  }
0x40: {  	_ =	shalt  }
0x41: {  	_ =	shalt  }
0x42: {  	_ =	shalt  }
0x43: {  	_ =	shalt  }
0x44: {  	_ =	shalt  }
0x45: {  	_ =	shalt  }
0x46: {  	_ =	shalt  }
0x47: {  	_ =	shalt  }
0x48: {  	_ =	shalt  }
0x49: {  	_ =	shalt  }
0x4a: {  	_ =	shalt  }
0x4b: {  	_ =	shalt  }
0x4c: {  	_ =	shalt  }
0x4d: {  	_ =	shalt  }
0x4e: {  	_ =	shalt  }
0x4f: {  	_ =	shalt  }
0x50: {  	_ =	shalt  }
0x51: {  	_ =	shalt  }
0x52: {  	_ =	shalt  }
0x53: {  	_ =	shalt  }
0x54: {  	_ =	shalt  }
0x55: {  	_ =	shalt  }
0x56: {  	_ =	shalt  }
0x57: {  	_ =	shalt  }
0x58: {  	_ =	shalt  }
0x59: {  	_ =	shalt  }
0x5a: {  	_ =	shalt  }
0x5b: {  	_ =	shalt  }
0x5c: {  	_ =	shalt  }
0x5d: {  	_ =	shalt  }
0x5e: {  	_ =	shalt  }
0x5f: {  	_ =	shalt  }
0x60: {  	_ =	shalt  }
0x61: {  	_ =	shalt  }
0x62: {  	_ =	shalt  }
0x63: {  	_ =	shalt  }
0x64: {  	_ =	shalt  }
0x65: {  	_ =	shalt  }
0x66: {  	_ =	shalt  }
0x67: {  	_ =	shalt  }
0x68: {  	_ =	shalt  }
0x69: {  	_ =	shalt  }
0x6a: {  	_ =	shalt  }
0x6b: {  	_ =	shalt  }
0x6c: {  	_ =	shalt  }
0x6d: {  	_ =	shalt  }
0x6e: {  	_ =	shalt  }
0x6f: {  	_ =	shalt  }
0x70: {  	_ =	shalt  }
0x71: {  	_ =	shalt  }
0x72: {  	_ =	shalt  }
0x73: {  	_ =	shalt  }
0x74: {  	_ =	shalt  }
0x75: {  	_ =	shalt  }
0x76: {  	_ =	shalt  }
0x77: {  	_ =	shalt  }
0x78: {  	_ =	shalt  }
0x79: {  	_ =	shalt  }
0x7a: {  	_ =	shalt  }
0x7b: {  	_ =	shalt  }
0x7c: {  	_ =	shalt  }
0x7d: {  	_ =	shalt  }
0x7e: {  	_ =	shalt  }
0x7f: {  	_ =	shalt  }
0x80: {  	_ =	shalt  }
0x81: {  	_ =	shalt  }
0x82: {  	_ =	shalt  }
0x83: {  	_ =	shalt  }
0x84: {  	_ =	shalt  }
0x85: {  	_ =	shalt  }
0x86: {  	_ =	shalt  }
0x87: {  	_ =	shalt  }
.Lfunc_end0:
.L_simem_size_0:
called_computation_lowered:
.L_overlay_start_0:
0x88: {  	s2 =	sld [smem:$0x3FD9]  }
0x89: {  	s3 =	sld [smem:$0x3FFE];
	_ =	sdelay $0x1  }
0x8a: {  	s1 =	srdreg.scid  }
0x8b: {  	s0 =	sand.u32 $0x1, s1  }
0x8c: {  	s17 =	sshll.u32 s0, $0xA;
	s2 =	sadd.s32 s3, s2  }
0x8d: {  	s2 =	sadd.s32 s2, s17  }
0x8e: {  	[smem:$0x3FBD] =	sst s2  }
0x8f: {  	_ = 	snop  }
0x90: {  	s2 =	sld [smem:$0x3FD0];
	(tm) =	ssettm $0x1  }
0x91: {  	s18 =	sld [smem:$0x3FFB];
	_ =	sdelay $0x3  }
0x92: {  	_ =	strace s18  }
0x93: {  	s3 =	sld [smem:$0x3FFC];
	_ =	sdelay $0x3  }
0x94: {  	_ =	strace s3  }
0x95: {  	s3 =	sld [smem:$0x3FFD];
	_ =	sdelay $0x3  }
0x96: {  	_ =	strace s3  }
0x97: {  	_ =	strace $0x8FFFFFFF  }
0x98: {  	s19 =	sld [smem:$0x3FDB];
	_ =	sdelay $0x1  }
0x99: {  	s4 =	simm.s32 $_scs_section_size  }
0x9a: {  	s5 =	simm.s32 $_size__tile_overlayer_lowered;
	s6 =	simm.s32 $_tile_overlayer_lowered  }
0x9b: {  	s22 =	simm.s32 $0x1BFF;
	s21 =	sshll.u32 s6, $0x1;
	s3 =	sadd.s32 s4, s19  }
0x9c: {  	s7 =	simm.s32 $0x0;
	s20 =	sshll.u32 s5, $0x1;
	s5 =	sadd.s32 s21, s3  }
0x9d: {  	[timem:s7], [sflag:s22] =	dma.local [hbm:s5], s20  }
0x9e: {  	_ =	swait.ge [sflag:s22], s20  }
0x9f: {  	s4 =	ssub.s32 $0x0, s20;
	[sflag:s22] =	ssyncset.done $0x0  }
0xa0: {  	[sflag:s22] =	ssyncadd.s32 s4;
	_ =	sdelay $0x1  }
0xa1: {  	s23 =	simm.s32 $0x1B8B  }
0xa2: {  	_ =	swait.ge [sflag:s23], $0x1  }
0xa3: {  	[sflag:s23] =	ssyncset.done $0x0  }
0xa4: {  	s25 =	simm.s32 $0x1B8E;
	s24 =	sld [smem:$0x3FFE];
	[sflag:s23] =	ssyncadd.s32 $0xFFFFFFFF  }
0xa5: {  	s26 =	simm.s32 $execute0_lowered;
	[smem:$0x3FD2] =	sst s25  }
0xa6: {  	s5 =	sshll.u32 s26, $0x1;
	_ =	strace $0x80000046;
	[dreg:$0x1] =	wrdreg $0xFFFFFFFF  }
0xa7: {  	s28 =	simm.s32 $_size_execute0_lowered;
	s3 =	sadd.s32 s3, s5;
	[dreg:$0x0] =	wrdreg $0x0  }
0xa8: {  	s5 =	sshll.u32 s28, $0x1;
	[dreg:$0x2] =	wrdreg s3  }
0xa9: {  	[dreg:$0x3] =	wrdreg s5  }
0xaa: {  	[dreg:$0x4] =	wrdreg $0xC0  }
0xab: {  	_ =	task [dreg:s7], $0x5FFFF  }
0xac: {  	[dreg:$0x1] =	wrdreg $0xFFFFFFFF  }
0xad: {  	[dreg:$0x0] =	wrdreg $0x60  }
0xae: {  	[dreg:$0x2] =	wrdreg s24  }
0xaf: {  	[dreg:$0x3] =	wrdreg s2  }
0xb0: {  	[dreg:$0x4] =	wrdreg $0x41A00  }
0xb1: {  	[dreg:$0x5] =	wrdreg $0x9  }
0xb2: {  	_ =	task.clear_ibuf [dreg:s7], $0x6FFFF;
	_ =	strace $0x90000046  }
0xb3: {  	s29 =	simm.s32 $0x9;
	_ =	strace $0x80000048  }
0xb4: {  	_ =	swait.ge [sflag:s29], $0x1  }
0xb5: {  	[sflag:s29] =	ssyncadd.s32 $0xFFFFFFFF  }
0xb6: {  	_ =	strace $0x90000048  }
0xb7: {  	_ =	sfence  }
0xb8: {  	s30 =	sld [smem:$0x0];
	_ =	sdelay $0x2  }
0xb9: {  	s31 =	sshll.u32 s1, $0xD;
	s1 =	sshrl.u32 s1, $0x2  }
0xba: {  	s3 =	sand.u32 $0x4000, s31;
	s1 =	sadd.s32 s1, s30  }
0xbb: {  	s0 =	sor.u32 s3, s0;
	s1 =	sshll.u32 s1, $0x11  }
0xbc: {  	s0 =	sor.u32 s1, s0  }
0xbd: {  	s0 =	sadd.s32 $0x8F2B, s0  }
0xbe: {  	[sflag:s0] =	ssyncadd.remote.s32 $0x1  }
0xbf: {  	_ =	sfence.sel $0xFFFF  }
0xc0: {  	[dreg:$0x0] =	wrdreg $0xFFFFFFFF;
	(pc) =	sbr.abs _section_cstart, $3  }
0xc1: {  	[dreg:$0x1] =	wrdreg $0xFFFFFFFF  }
0xc2: {  	_ =	task.clear_ibuf [dreg:s7], $0x2FFFF;
	_ =	strace $0x9FFFFFFF  }
0xc3: {  	(tm) =	ssettm $0x7FFFFFFF  }
tec
execute0_lowered:
.L_overlay_start_1:
0x0: {  	(tag) =	ssettag $0x1  }
0x1: {  	s0 =	rddreg [dreg:$0x0]  }
0x2: {  	s1 =	rddreg [dreg:$0x1]  }
0x3: {  	s3 =	rddreg [dreg:$0x2];
	s4 =	simm.s32 $0x0;
	s16 =	stileid.u32  }
0x4: {  	s2 =	srdreg.scid;
	s19 =	simm.s32 $0x3520;
	s10 =	smul.u32 $0x61A80, s16  }
0x5: {  	s28 =	simm.s32 $0x3;
	s29 =	simm.s32 $0x2;
	s11 =	smul.u32 $0x186A, s16  }
0x6: {  	s30 =	simm.s32 $0x7;
	s31 =	simm.s32 $0x1C20;
	s20 =	smul.u32 $0x186A0, s16  }
0x7: {  	s2 =	sand.u32 $0x1, s2;
	s5 =	sshll.u32 s16, $0x1;
	s16 =	smul.u32 $0x30D4, s16  }
0x8: {  	[smem:$0x7FF] =	sst s4;
	s9 =	sadd.s32 $0x1EAE00, s0;
	s14 =	smul.u32 $0x186A0, s2  }
0x9: {  	_ =	strace $0x80000047;
	s6 =	sor.u32 s2, s5;
	s21 =	smul.u32 $0xC350, s2  }
0xa: {  	s5 =	sadd.s32 $0x189200, s0;
	s7 =	ssub.s32 $0x2, s2;
	s2 =	smul.u32 $0x30D40, s2  }
0xb: {  	s8 =	smul.u32 $0xC350, s6;
	s6 =	sadd.s32 $0x1BA000, s0;
	s0 =	sadd.s32 $0x805600, s0  }
0xc: {  	s12 =	sshrl.u32 s7, $0x1;
	s13 =	sshrl.u32 s10, $0x2;
	s10 =	sadd.s32 s10, s9  }
0xd: {  	s12 =	ssub.s32 s7, s12;
	s7 =	sadd.s32 s13, s3;
	s11 =	sadd.s32 s11, s14  }
0xe: {  	s14 =	sadd.s32 s21, s20;
	s13 =	sadd.s32 s2, s10;
	s20 =	simm.s32 $0x8  }
0xf: {  	s21 =	simm.s32 $0x190;
	s15 =	sshrl.u32 s8, $0x3;
	s8 =	sadd.s32 $0x18380, s7  }
0x10: {  	s11 =	sshll.u32 s11, $0x1;
	s22 =	sadd.s32 $0xC8, s14;
	s12 =	smax.u32 s12, $0x1  }
0x11: {  	s24 =	sadd.s32 $0x190, s14;
	s17 =	sadd.s32 s5, s15;
	[dreg:$0x7] =	wrdreg s12  }
0x12: {  	s15 =	sadd.s32 s6, s15;
	s11 =	sadd.s32 s11, s0;
	[dreg:$0x8] =	wrdreg s24  }
0x13: {  	s0 =	sadd.s32 s2, s0;
	s24 =	simm.s32 $0x1;
	[dreg:$0x4] =	wrdreg s17  }
0x14: {  	s2 =	simm.s32 $0x6;
	[dreg:$0x5] =	wrdreg s15;
	s11 =	sadd.s32 $0x3070, s11  }
0x15: {  	s18 =	sadd.s32 s16, s0;
	[dreg:$0x6] =	wrdreg s11;
	s11 =	sshrl.u32 s22, $0x3  }
0x16: {  	s0 =	simm.s32 $0x4;
	s22 =	simm.s32 $0xC8;
	s25 =	sadd.s32 s11, s6  }
0x17: {  	s23 =	sshll.u32 s11, $0x5;
	s26 =	sadd.s32 s11, s5;
	[dreg:$0x9] =	wrdreg s25  }
0x18: {  	v0 =	vimm.f32 $0.0e+00;
	vm0 =	vcmask $0x300;
	s15 =	sadd.s32 s23, s9;
	[dreg:$0xa] =	wrdreg s26;
	s23 =	simm.s32 $0x258  }
0x19: {  	v1 =	vsel vm0, $0x3F800000, v0;
	s25 =	simm.s32 $0x320;
	s26 =	simm.s32 $0x5;
	s9 =	simm.s32 $0x0  }
.LBB2_1:
0x1a: {  	s10 =	simm.s32 $0x0  }
.LBB2_2:
0x1b: {  	p0 =	sne.s32 s10, $0x31C0  }
.Ltmp0:
0x1c: {  	_ = 	snop;
	(pc) =	sbr.rel @p0 .LBB2_2-.Ltmp0, $3  }
0x1d: {  	_ =	sdelay $0x1  }
0x1e: {  	s14 =	sshra.s32 s10, $0x2  }
0x1f: {  	s10 =	sadd.s32 $0x40, s10;
	[tilespmem:s14+$0x3520] =	vst v0  }
0x20: {  	s10 =	sadd.s32 $0x0, s7  }
0x21: {  	[spmem:s10] =	stream.linear.scatter [tilespmem:s19], [sflag:$0x8], $0xC80, $0x38;
	[tilespmem:$0x1C840] =	vst v63  }
0x22: {  	s10 =	simm.s32 $0x3200;
	_ =	swait.ge [sflag:s20], $0xC80  }
.LBB2_4:
0x23: {  	s14 =	sshra.s32 s10, $0x2;
	[sflag:s20] =	ssyncset.done $0x0;
	p0 =	sne.s32 s10, $0x5DC00  }
.Ltmp1:
0x24: {  	s14 =	sadd.s32 s14, s7;
	[sflag:s20] =	ssyncadd.s32 $0xFFFFF380;
	(pc) =	sbr.rel @p0 .LBB2_4-.Ltmp1, $3  }
0x25: {  	[spmem:s14] =	stream.linear.scatter [tilespmem:s19], [sflag:$0x8], $0xC80, $0x38;
	[tilespmem:$0x1C840] =	vst v63  }
0x26: {  	s10 =	sadd.s32 $0x3200, s10;
	_ =	sdelay $0x1  }
0x27: {  	_ =	swait.ge [sflag:s20], $0xC80  }
0x28: {  	[sflag:s20] =	ssyncset.done $0x0  }
0x29: {  	[sflag:s20] =	ssyncadd.s32 $0xFFFFF380  }
0x2a: {  	[spmem:s8] =	stream.linear.scatter [tilespmem:s19], [sflag:$0x8], $0x320, $0x38;
	[tilespmem:$0x1C840] =	vst v63  }
0x2b: {  	_ =	swait.ge [sflag:s20], $0x320  }
0x2c: {  	[sflag:s20] =	ssyncset.done $0x0  }
0x2d: {  	s10 =	simm.s32 $0x40;
	s14 =	simm.s32 $0x0;
	[sflag:s20] =	ssyncadd.s32 $0xFFFFFCE0  }
.LBB2_6:
0x2e: {  	p0 =	sne.s32 s10, $0x31C0;
	[tilespmem:s14+$0x3520] =	vst v1;
	s14 =	smov.u32 s10;
	s10 =	sadd.s32 $0x40, s10  }
.Ltmp2:
0x2f: {  	(pc) =	sbr.rel @p0 .LBB2_6-.Ltmp2, $2  }
0x30: {  	_ =	sdelay $0x2  }
0x31: {  	s14 =	sshra.s32 s14, $0x2  }
0x32: {  	[tilespmem:s14+$0x3520] =	vst v1  }
0x33: {  	[bflag:$0x0] =	sbarrier.arrive $0xFFFF  }
0x34: {  	s11 =	rddreg [dreg:$0x4]  }
0x35: {  	s17 =	rddreg [dreg:$0x5]  }
.Ltmp3:
0x36: {  	s10 =	simm.s32 $0x0;
	s16 =	rddreg [dreg:$0x9];
	(pc) =	sbr.rel .LBB2_8-.Ltmp3, $4  }
0x37: {  	[tilespmem:s10], [sflag:$0x1] =	stream.linear.gather [hbm4b:s11+s10], $0xC8, $0x38;
	[tilespmem:$0x1C840] =	vst v63  }
0x38: {  	s14 =	rddreg [dreg:$0x8]  }
0x39: {  	[tilespmem:s21], [sflag:$0x3] =	stream.linear.gather [hbm4b:s17+s10], $0xC8, $0x38;
	[tilespmem:$0x1C840] =	vst v63  }
0x3a: {  	s17 =	rddreg [dreg:$0xa]  }
.LBB2_9:
0x3b: {  	_ =	swait.ge [sflag:s29], $0xC8  }
0x3c: {  	[sflag:s29] =	ssyncset.done $0x0  }
0x3d: {  	[sflag:s29] =	ssyncadd.s32 $0xFFFFFF38  }
.LBB2_11:
0x3e: {  	_ =	swait.ge [sflag:s30], $0x1900  }
0x3f: {  	[sflag:s30] =	ssyncset.done $0x0  }
0x40: {  	[sflag:s30] =	ssyncadd.s32 $0xFFFFE700  }
.LBB2_12:
0x41: {  	[tilespmem:s31], [sflag:$0x5] =	stream.indirect.gather [hbm4b:s1+s22], $0x20, s22, s22, $0xb8;
	[tilespmem:$0x1C840] =	vst v63  }
0x42: {  	_ =	swait.ge [sflag:s26], $0x1900  }
0x43: {  	[sflag:s26] =	ssyncset.done $0x0  }
0x44: {  	s11 =	sadd.s32 s10, s15;
	[sflag:s26] =	ssyncadd.s32 $0xFFFFE700  }
0x45: {  	[hbm4b:s11+s4] =	stream.linear.scatter [tilespmem:s31], [sflag:$0x7], $0x1900, $0x38;
	[tilespmem:$0x1C840] =	vst v63  }
0x46: {  	s10 =	sadd.s32 $0x640, s10;
	_ =	swait.ge [sflag:s0], $0xC8  }
0x47: {  	p0 =	sne.s32 s10, $0x30D40;
	[sflag:s0] =	ssyncset.done $0x0  }
.Ltmp4:
0x48: {  	[sflag:s0] =	ssyncadd.s32 $0xFFFFFF38;
	(pc) =	sbr.rel @!p0 .LBB2_13-.Ltmp4, $4  }
0x49: {  	[spmem:s3] =	stream.indirect.scatter.add.f32 [tilespmem:s19], [sflag:$0x8], $0x10, s23, s22, $0xb8;
	[tilespmem:$0x1C840] =	vst v63  }
0x4a: {  	_ =	swait.ge [sflag:s20], $0xC80  }
0x4b: {  	s14 =	sadd.s32 $0x190, s14;
	[sflag:s20] =	ssyncset.done $0x0  }
0x4c: {  	s16 =	sadd.s32 $0x32, s16;
	s17 =	sadd.s32 $0x32, s17;
	[sflag:s20] =	ssyncadd.s32 $0xFFFFF380  }
.LBB2_8:
0x4d: {  	[tilespmem:s22], [sflag:$0x2] =	stream.linear.gather [hbm4b:s17+s4], $0xC8, $0x38;
	[tilespmem:$0x1C840] =	vst v63  }
0x4e: {  	_ = 	snop  }
0x4f: {  	[tilespmem:s23], [sflag:$0x4] =	stream.linear.gather [hbm4b:s16+s4], $0xC8, $0x38;
	[tilespmem:$0x1C840] =	vst v63  }
0x50: {  	_ =	swait.ge [sflag:s24], $0xC8  }
0x51: {  	p0 =	seq.s32 s10, $0x0;
	[sflag:s24] =	ssyncset.done $0x0  }
0x52: {  	s12 =	simm.s32 @!p0 $0x6;
	[sflag:s24] =	ssyncadd.s32 $0xFFFFFF38  }
0x53: {  	_ =	swait.ge @!p0 [sflag:s12], $0x1900  }
0x54: {  	[sflag:s12] =	ssyncset.done @!p0 $0x0  }
0x55: {  	[sflag:s12] =	ssyncadd.s32 @!p0 $0xFFFFE700  }
0x56: {  	[tilespmem:s25], [sflag:$0x5] =	stream.indirect.gather [hbm4b:s1+s22], $0x20, s4, s22, $0xb8;
	[tilespmem:$0x1C840] =	vst v63  }
0x57: {  	_ =	swait.ge [sflag:s26], $0x1900  }
0x58: {  	[sflag:s26] =	ssyncset.done $0x0  }
0x59: {  	s11 =	sadd.s32 s10, s13;
	[sflag:s26] =	ssyncadd.s32 $0xFFFFE700  }
0x5a: {  	[hbm4b:s11+s4] =	stream.linear.scatter [tilespmem:s25], [sflag:$0x6], $0x1900, $0x38;
	[tilespmem:$0x1C840] =	vst v63  }
0x5b: {  	_ =	swait.ge [sflag:s28], $0xC8  }
0x5c: {  	p1 =	sne.s32 s10, $0x30700;
	[sflag:s28] =	ssyncset.done $0x0  }
.Ltmp5:
0x5d: {  	[sflag:s28] =	ssyncadd.s32 $0xFFFFFF38;
	(pc) =	sbr.rel @!p1 .LBB2_9-.Ltmp5, $4  }
0x5e: {  	[spmem:s3] =	stream.indirect.scatter.add.f32 [tilespmem:s19], [sflag:$0x8], $0x10, s21, s22, $0xb8;
	[tilespmem:$0x1C840] =	vst v63  }
0x5f: {  	_ =	swait.ge [sflag:s20], $0xC80  }
0x60: {  	[sflag:s20] =	ssyncset.done $0x0  }
0x61: {  	[sflag:s20] =	ssyncadd.s32 $0xFFFFF380  }
0x62: {  	s12 =	sshrl.u32 s14, $0x3  }
0x63: {  	s11 =	sadd.s32 s5, s12  }
0x64: {  	[tilespmem:s4], [sflag:$0x1] =	stream.linear.gather [hbm4b:s11+s4], $0xC8, $0x38;
	[tilespmem:$0x1C840] =	vst v63  }
0x65: {  	s12 =	sadd.s32 s6, s12  }
0x66: {  	[tilespmem:s21], [sflag:$0x3] =	stream.linear.gather [hbm4b:s12+s4], $0xC8, $0x38;
	[tilespmem:$0x1C840] =	vst v63  }
.Ltmp6:
0x67: {  	_ = 	snop;
	(pc) =	sbr.rel @!p0 .LBB2_11-.Ltmp6, $4  }
.Ltmp7:
0x68: {  	_ = 	snop;
	(pc) =	sbr.rel @p0 .LBB2_12-.Ltmp7, $4  }
0x69: {  	_ =	swait.ge [sflag:s29], $0xC8  }
0x6a: {  	[sflag:s29] =	ssyncset.done $0x0  }
0x6b: {  	[sflag:s29] =	ssyncadd.s32 $0xFFFFFF38  }
0x6c: {  	_ = 	snop  }
.LBB2_13:
0x6d: {  	_ =	swait.ge [sflag:s2], $0x1900  }
0x6e: {  	[sflag:s2] =	ssyncset.done $0x0  }
0x6f: {  	[sflag:s2] =	ssyncadd.s32 $0xFFFFE700  }
0x70: {  	_ =	swait.ge [sflag:s30], $0x1900  }
0x71: {  	[sflag:s30] =	ssyncset.done $0x0  }
0x72: {  	[sflag:s30] =	ssyncadd.s32 $0xFFFFE700  }
0x73: {  	[bflag:$0x0] =	sbarrier.arrive $0xFFFF  }
0x74: {  	[tilespmem:s19], [sflag:$0x8] =	stream.linear.gather [spmem:s7], $0xC80, $0x38;
	[tilespmem:$0x1C840] =	vst v63  }
0x75: {  	_ =	swait.ge [sflag:s20], $0xC80  }
0x76: {  	[sflag:s20] =	ssyncset.done $0x0  }
0x77: {  	s10 =	sadd.s32 $0x0, s18;
	[sflag:s20] =	ssyncadd.s32 $0xFFFFF380  }
0x78: {  	[hbm4b:s10+s4] =	stream.linear.scatter [tilespmem:s19], [sflag:$0x8], $0xC80, $0x38;
	[tilespmem:$0x1C840] =	vst v63  }
0x79: {  	_ =	swait.ge [sflag:s20], $0xC80  }
0x7a: {  	s14 =	smov.u32 s7;
	s10 =	simm.s32 $0x190;
	[sflag:s20] =	ssyncset.done $0x0  }
.LBB2_14:
0x7b: {  	p0 =	sne.s32 s10, $0x2EE0;
	[sflag:s20] =	ssyncadd.s32 $0xFFFFF380;
	s14 =	sadd.s32 $0xC80, s14  }
0x7c: {  	[tilespmem:s19], [sflag:$0x8] =	stream.linear.gather [spmem:s14], $0xC80, $0x38;
	[tilespmem:$0x1C840] =	vst v63  }
0x7d: {  	s11 =	smov.u32 s10;
	s10 =	sadd.s32 $0x190, s10;
	_ =	swait.ge [sflag:s20], $0xC80  }
.Ltmp8:
0x7e: {  	[sflag:s20] =	ssyncset.done $0x0;
	(pc) =	sbr.rel @p0 .LBB2_14-.Ltmp8, $4  }
0x7f: {  	s11 =	sadd.s32 s11, s18;
	[sflag:s20] =	ssyncadd.s32 $0xFFFFF380  }
0x80: {  	[hbm4b:s11+s4] =	stream.linear.scatter [tilespmem:s19], [sflag:$0x8], $0xC80, $0x38;
	[tilespmem:$0x1C840] =	vst v63  }
0x81: {  	_ =	swait.ge [sflag:s20], $0xC80  }
0x82: {  	[sflag:s20] =	ssyncset.done $0x0  }
0x83: {  	[sflag:s20] =	ssyncadd.s32 $0xFFFFF380  }
0x84: {  	[tilespmem:s19], [sflag:$0x8] =	stream.linear.gather [spmem:s8], $0x320, $0x38;
	[tilespmem:$0x1C840] =	vst v63  }
0x85: {  	_ =	swait.ge [sflag:s20], $0x320  }
0x86: {  	[sflag:s20] =	ssyncset.done $0x0  }
0x87: {  	s10 =	rddreg [dreg:$0x6];
	[sflag:s20] =	ssyncadd.s32 $0xFFFFFCE0  }
0x88: {  	[hbm4b:s10+s4] =	stream.linear.scatter [tilespmem:s19], [sflag:$0x8], $0x320, $0x38;
	[tilespmem:$0x1C840] =	vst v63  }
0x89: {  	_ =	swait.ge [sflag:s20], $0x320  }
0x8a: {  	s9 =	sadd.s32 $0x1, s9;
	s17 =	rddreg [dreg:$0x7]  }
0x8b: {  	p0 =	sne.s32 s9, s17  }
.Ltmp9:
0x8c: {  	_ = 	snop;
	(pc) =	sbr.rel @p0 .LBB2_1-.Ltmp9, $3  }
0x8d: {  	_ =	sdelay $0x1  }
0x8e: {  	[sflag:s20] =	ssyncset.done $0x0  }
0x8f: {  	[sflag:s20] =	ssyncadd.s32 $0xFFFFFCE0  }
0x90: {  	_ =	sfence.sel $0x180000  }
0x91: {  	[bflag:$0x0] =	sbarrier.arrive $0xFFFF  }
0x92: {  	_ =	strace $0x90000047  }
0x93: {  	s0 =	stileid.u32;
	[bflag:$0x2] =	sbarrier.arrive $0xFFFF  }
0x94: {  	p0 =	sne.s32 s0, $0x0;
	s0 =	rddreg [dreg:$0x3]  }
0x95: {  	s0 =	sadd.s32 @!p0 $0x100000, s0  }
0x96: {  	[sflag:s0] =	ssyncadd.tile.s32 @!p0 $0x1;
	_ =	shalt  }
.Lfunc_end2:
_tile_overlayer_lowered:
.L_overlay_start_2:
0x97: {  	(tag) =	ssettag $0x2  }
0x98: {  	s0 =	rddreg [dreg:$0x0];
	s2 =	stileid.u32  }
0x99: {  	s1 =	rddreg [dreg:$0x1];
	p0 =	sne.s32 s2, $0x0  }
0x9a: {  	s3 =	rddreg [dreg:$0x2];
	[bflag:$0x3] =	sbarrier.arrive $0xFFFF;
	s2 =	simm.s32 @!p0 $0x1C08  }
0x9b: {  	[timem:s3], [sflag:s2] =	dma.local @!p0 [hbm:s0], s1  }
0x9c: {  	s0 =	simm.s32 @!p0 $0x8  }
0x9d: {  	_ =	swait.ge @!p0 [sflag:s0], s1  }
0x9e: {  	s1 =	ssub.s32 @!p0 $0x0, s1;
	[sflag:s0] =	ssyncset.done @!p0 $0x0  }
0x9f: {  	[sflag:s0] =	ssyncadd.s32 @!p0 s1  }
0xa0: {  	[bflag:$0x3] =	sbarrier.arrive $0xFFFF  }
0xa1: {  	_ =	shalt  }

</sc_bundles>
